<compile_context>
chip_gen: v7x
topology: tpu7x:2x2x1
jax: 0.10.2.dev20260603
libtpu: 0.0.44.dev20260713+nightly
codegen_flags: <defaults>
</compile_context>

<pallas_src>
import functools

import jax
import jax.numpy as jnp
from jax import lax
from jax.experimental import pallas as pl
from jax.experimental.pallas import tpu as pltpu
from jax.experimental.pallas import tpu_sc as plsc

NUM_EMBEDDINGS = 1000000
EMBED_DIM = 64
BATCH = 4096
SEQ = 200
PW = 128

NW = 32
ROWS_PER_W = BATCH // NW
CB = 2
SPLITS = ((0, 128), (128, 72))
CHUNKS = ROWS_PER_W // CB
NB = 2


def _make_kernel():
  mesh = plsc.VectorSubcoreMesh(core_axis_name="c", subcore_axis_name="s")

  @functools.partial(
      pl.kernel,
      mesh=mesh,
      compiler_params=pltpu.CompilerParams(use_tc_tiling_on_sc=False),
      out_type=jax.ShapeDtypeStruct((BATCH, SEQ, PW), jnp.float32),
      scratch_types=[
          pltpu.VMEM((NB, CB, SEQ), jnp.int32),
          pltpu.VMEM((NB, CB, SEQ, PW), jnp.float32),
          pltpu.SemaphoreType.DMA((NB,)),
          pltpu.SemaphoreType.DMA((NB,)),
      ],
  )
  def gather_kernel(idx_hbm, table_hbm, out_hbm, idx_v, rows_v, gsem, wsem):
    wid = lax.axis_index("s") * 2 + lax.axis_index("c")
    base = wid * ROWS_PER_W

    def gathers(b):
      out = []
      for r in range(CB):
        for off, ln in SPLITS:
          out.append((
              table_hbm.at[idx_v.at[b, r, pl.ds(off, ln)]],
              rows_v.at[b, r, pl.ds(off, ln)],
          ))
      return out

    def fire(c, b):
      row0 = base + c * CB
      pltpu.sync_copy(idx_hbm.at[pl.ds(row0, CB)], idx_v.at[b])
      for src, dst in gathers(b):
        pltpu.async_copy(src, dst, gsem.at[b])

    def drain_writeback(c, b):
      row0 = base + c * CB
      for src, dst in gathers(b):
        pltpu.make_async_copy(src, dst, gsem.at[b]).wait()
      pltpu.async_copy(rows_v.at[b, slice(None), slice(None),
                                 pl.ds(0, EMBED_DIM)],
                       out_hbm.at[pl.ds(row0, CB), slice(None),
                                  pl.ds(0, EMBED_DIM)],
                       wsem.at[b])

    def wait_writeback(c, b):
      row0 = base + c * CB
      pltpu.make_async_copy(rows_v.at[b, slice(None), slice(None),
                                      pl.ds(0, EMBED_DIM)],
                            out_hbm.at[pl.ds(row0, CB), slice(None),
                                       pl.ds(0, EMBED_DIM)],
                            wsem.at[b]).wait()

    fire(0, 0)

    def body(t, _):
      c0 = t * NB
      fire(c0 + 1, 1)
      drain_writeback(c0, 0)
      @pl.when(t + 1 < CHUNKS // NB)
      def _():
        wait_writeback(c0, 0)
        fire(c0 + 2, 0)
      drain_writeback(c0 + 1, 1)
      @pl.when(t + 1 < CHUNKS // NB)
      def _():
        wait_writeback(c0 + 1, 1)
      return 0

    lax.fori_loop(0, CHUNKS // NB, body, 0)
    wait_writeback(CHUNKS - 2, 0)
    wait_writeback(CHUNKS - 1, 1)

  return gather_kernel


_gather = _make_kernel()


@jax.jit
def kernel(indices, table):
  table_pad = jnp.pad(table, ((0, 0), (0, PW - EMBED_DIM)))
  out_big = _gather(indices.astype(jnp.int32), table_pad)
  return out_big[:, :, :EMBED_DIM]

# --- scband reference (transcript-rebuilt; emitter-appended) ---
"""Pipeline reference for scband-encoder-ssptm-34351148433889 (READ-ONLY COPY).

The authoritative reference and input builder live on the scoring server;
editing this copy changes nothing except your own understanding.
"""

import jax, jax.numpy as jnp
import numpy as np

NUM_EMBEDDINGS = 1000000
EMBED_DIM = 64
BATCH = 4096
SEQ = 200


def setup_inputs(seed: int = 0) -> dict:
    key = jax.random.key(seed)
    k_idx, k_tab = jax.random.split(key)
    indices = jax.random.randint(k_idx, (BATCH, SEQ), 0, NUM_EMBEDDINGS, dtype=jnp.int64 if jax.config.jax_enable_x64 else jnp.int32)
    table = jax.random.normal(k_tab, (NUM_EMBEDDINGS, EMBED_DIM), dtype=jnp.float32) * 0.02
    return {"indices": indices, "table": table}


def reference(indices, table):
    # Embedding lookup: equivalent to nn.Embedding(num_embeddings, embedding_dim)(indices)
    out = jnp.take(table, indices, axis=0)
    return out

if __name__ == "__main__":
    import jax
    _d = setup_inputs()
    print(jax.jit(kernel)(*tuple(_d.values())))

</pallas_src>

<mosaic_0001>
#map = affine_map<(d0, d1) -> (0, 0)>
#map1 = affine_map<(d0, d1) -> (0, 0, 0)>
module attributes {stable_mosaic.version = 14 : i64} {
  func.func @gather_kernel(%arg0: i32, %arg1: i32, %arg2: memref<4096x200xi32, #tpu.memory_space<hbm>>, %arg3: memref<1000000x128xf32, #tpu.memory_space<hbm>>, %arg4: memref<4096x200x128xf32, #tpu.memory_space<hbm>>, %arg5: memref<2x2x200xi32, #tpu.memory_space<vmem>>, %arg6: memref<2x2x200x128xf32, #tpu.memory_space<vmem>>, %arg7: memref<2x!tpu.dma_semaphore, #tpu.memory_space<semaphore_mem>>, %arg8: memref<2x!tpu.dma_semaphore, #tpu.memory_space<semaphore_mem>>) attributes {dimension_semantics = [#tpu.dimension_semantics<core_parallel>, #tpu.dimension_semantics<subcore_parallel>], iteration_bounds = array<i64: 2, 16>, scalar_prefetch = 0 : i64, scratch_operands = 4 : i64, tpu.core_type = #tpu.core_type<sc_vector_subcore>, window_params = [{transform_indices = #map}, {transform_indices = #map}, {transform_indices = #map1}]} {
    %mul3A = arith.constant 2 : i32
    %mul3A_0 = arith.muli %arg1, %mul3A : i32
    %add3A = arith.addi %mul3A_0, %arg0 : i32
    %mul3A_1 = arith.constant 128 : i32
    %mul3A_2 = arith.muli %add3A, %mul3A_1 : i32
    %add3A_3 = arith.constant 0 : i32
    %add3A_4 = arith.addi %mul3A_2, %add3A_3 : i32
    %run_scoped3A = arith.constant 0 : i32
    "tpu.region"() ({
      %run_scoped3A_121 = tpu.sem_alloc : memref<!tpu.dma_semaphore, #tpu.memory_space<semaphore_mem>>
      %dma_start3A_122 = arith.constant 0 : i32
      %dma_start3A_123 = arith.constant 0 : i32
      %dma_start3A_124 = tpu.memref_slice %arg5[%run_scoped3A, %dma_start3A_122, %dma_start3A_123] : memref<2x2x200xi32, #tpu.memory_space<vmem>> -> memref<1x2x200xi32, #tpu.memory_space<vmem>>
      %dma_start3A_125 = tpu.memref_squeeze %dma_start3A_124 : memref<1x2x200xi32, #tpu.memory_space<vmem>> -> memref<2x200xi32, #tpu.memory_space<vmem>>
      %dma_start3A_126 = arith.constant 0 : i32
      %dma_start3A_127 = tpu.memref_slice %arg2[%add3A_4, %dma_start3A_126] : memref<4096x200xi32, #tpu.memory_space<hbm>> -> memref<2x200xi32, #tpu.memory_space<hbm>>
      %dma_start3A_128 = arith.constant 0 : i32
      %dma_start3A_129 = arith.constant 0 : i32
      %dma_start3A_130 = tpu.memref_slice %arg5[%run_scoped3A, %dma_start3A_128, %dma_start3A_129] : memref<2x2x200xi32, #tpu.memory_space<vmem>> -> memref<1x2x200xi32, #tpu.memory_space<vmem>>
      %dma_start3A_131 = tpu.memref_squeeze %dma_start3A_130 : memref<1x2x200xi32, #tpu.memory_space<vmem>> -> memref<2x200xi32, #tpu.memory_space<vmem>>
      %dma_start3A_132 = arith.constant 0 : i32
      %dma_start3A_133 = tpu.memref_slice %arg2[%add3A_4, %dma_start3A_132] : memref<4096x200xi32, #tpu.memory_space<hbm>> -> memref<2x200xi32, #tpu.memory_space<hbm>>
      tpu.enqueue_dma source(%dma_start3A_133 : memref<2x200xi32, #tpu.memory_space<hbm>>) target(%dma_start3A_131 : memref<2x200xi32, #tpu.memory_space<vmem>>) target_semaphore(%run_scoped3A_121 : memref<!tpu.dma_semaphore, #tpu.memory_space<semaphore_mem>>)
      %dma_wait3A_134 = arith.constant 0 : i32
      %dma_wait3A_135 = arith.constant 0 : i32
      %dma_wait3A_136 = tpu.memref_slice %arg5[%run_scoped3A, %dma_wait3A_134, %dma_wait3A_135] : memref<2x2x200xi32, #tpu.memory_space<vmem>> -> memref<1x2x200xi32, #tpu.memory_space<vmem>>
      %dma_wait3A_137 = tpu.memref_squeeze %dma_wait3A_136 : memref<1x2x200xi32, #tpu.memory_space<vmem>> -> memref<2x200xi32, #tpu.memory_space<vmem>>
      %dma_wait3A_138 = arith.constant 0 : i32
      %dma_wait3A_139 = tpu.memref_slice %arg2[%add3A_4, %dma_wait3A_138] : memref<4096x200xi32, #tpu.memory_space<hbm>> -> memref<2x200xi32, #tpu.memory_space<hbm>>
      %dma_wait3A_140 = arith.constant 0 : i32
      %dma_wait3A_141 = arith.constant 0 : i32
      %dma_wait3A_142 = tpu.memref_slice %arg5[%run_scoped3A, %dma_wait3A_140, %dma_wait3A_141] : memref<2x2x200xi32, #tpu.memory_space<vmem>> -> memref<1x2x200xi32, #tpu.memory_space<vmem>>
      %dma_wait3A_143 = tpu.memref_squeeze %dma_wait3A_142 : memref<1x2x200xi32, #tpu.memory_space<vmem>> -> memref<2x200xi32, #tpu.memory_space<vmem>>
      %dma_wait3A_144 = arith.constant 0 : i32
      %dma_wait3A_145 = tpu.memref_slice %arg2[%add3A_4, %dma_wait3A_144] : memref<4096x200xi32, #tpu.memory_space<hbm>> -> memref<2x200xi32, #tpu.memory_space<hbm>>
      tpu.wait_dma2 semaphore(%run_scoped3A_121 : memref<!tpu.dma_semaphore, #tpu.memory_space<semaphore_mem>>) src(%dma_wait3A_145 : memref<2x200xi32, #tpu.memory_space<hbm>>) dst(%dma_wait3A_143 : memref<2x200xi32, #tpu.memory_space<vmem>>)
      tpu.yield
    }) : () -> ()
    %dma_start3A = arith.constant 0 : i32
    %dma_start3A_5 = arith.constant 0 : i32
    %dma_start3A_6 = arith.constant 0 : i32
    %dma_start3A_7 = arith.constant 0 : i32
    %dma_start3A_8 = arith.constant 0 : i32
    %dma_start3A_9 = arith.constant 0 : i32
    %dma_start3A_10 = arith.constant 0 : i32
    %dma_start3A_11 = tpu.memref_slice %arg6[%dma_start3A_6, %dma_start3A_7, %dma_start3A_9, %dma_start3A_10] : memref<2x2x200x128xf32, #tpu.memory_space<vmem>> -> memref<1x1x128x128xf32, #tpu.memory_space<vmem>>
    %dma_start3A_12 = tpu.memref_squeeze %dma_start3A_11 : memref<1x1x128x128xf32, #tpu.memory_space<vmem>> -> memref<128x128xf32, #tpu.memory_space<vmem>>
    %dma_start3A_13 = arith.constant 0 : i32
    %dma_start3A_14 = tpu.memref_slice %arg5[%dma_start3A, %dma_start3A_5, %dma_start3A_13] : memref<2x2x200xi32, #tpu.memory_space<vmem>> -> memref<1x1x128xi32, #tpu.memory_space<vmem>>
    %dma_start3A_15 = tpu.memref_squeeze %dma_start3A_14 : memref<1x1x128xi32, #tpu.memory_space<vmem>> -> memref<128xi32, #tpu.memory_space<vmem>>
    %dma_start3A_16 = arith.constant 0 : i32
    %dma_start3A_17 = arith.constant 0 : i32
    %dma_start3A_18 = tpu.memref_slice %arg3[%dma_start3A_16, %dma_start3A_17] : memref<1000000x128xf32, #tpu.memory_space<hbm>> -> memref<1000000x128xf32, #tpu.memory_space<hbm>>
    %dma_start3A_19 = tpu.memref_slice %arg7[%dma_start3A_8] : memref<2x!tpu.dma_semaphore, #tpu.memory_space<semaphore_mem>> -> memref<1x!tpu.dma_semaphore, #tpu.memory_space<semaphore_mem>>
    %dma_start3A_20 = tpu.memref_squeeze %dma_start3A_19 : memref<1x!tpu.dma_semaphore, #tpu.memory_space<semaphore_mem>> -> memref<!tpu.dma_semaphore, #tpu.memory_space<semaphore_mem>>
    tpu.enqueue_indirect_dma source(%dma_start3A_18 : memref<1000000x128xf32, #tpu.memory_space<hbm>>) target(%dma_start3A_12 : memref<128x128xf32, #tpu.memory_space<vmem>>) offsets(%dma_start3A_15 : memref<128xi32, #tpu.memory_space<vmem>>) semaphore(%dma_start3A_20 : memref<!tpu.dma_semaphore, #tpu.memory_space<semaphore_mem>>)
    %dma_start3A_21 = arith.constant 0 : i32
    %dma_start3A_22 = arith.constant 0 : i32
    %dma_start3A_23 = arith.constant 0 : i32
    %dma_start3A_24 = arith.constant 0 : i32
    %dma_start3A_25 = arith.constant 0 : i32
    %dma_start3A_26 = arith.constant 128 : i32
    %dma_start3A_27 = arith.constant 0 : i32
    %dma_start3A_28 = tpu.memref_slice %arg6[%dma_start3A_23, %dma_start3A_24, %dma_start3A_26, %dma_start3A_27] : memref<2x2x200x128xf32, #tpu.memory_space<vmem>> -> memref<1x1x72x128xf32, #tpu.memory_space<vmem>>
    %dma_start3A_29 = tpu.memref_squeeze %dma_start3A_28 : memref<1x1x72x128xf32, #tpu.memory_space<vmem>> -> memref<72x128xf32, #tpu.memory_space<vmem>>
    %dma_start3A_30 = arith.constant 128 : i32
    %dma_start3A_31 = tpu.memref_slice %arg5[%dma_start3A_21, %dma_start3A_22, %dma_start3A_30] : memref<2x2x200xi32, #tpu.memory_space<vmem>> -> memref<1x1x72xi32, #tpu.memory_space<vmem>>
    %dma_start3A_32 = tpu.memref_squeeze %dma_start3A_31 : memref<1x1x72xi32, #tpu.memory_space<vmem>> -> memref<72xi32, #tpu.memory_space<vmem>>
    %dma_start3A_33 = arith.constant 0 : i32
    %dma_start3A_34 = arith.constant 0 : i32
    %dma_start3A_35 = tpu.memref_slice %arg3[%dma_start3A_33, %dma_start3A_34] : memref<1000000x128xf32, #tpu.memory_space<hbm>> -> memref<1000000x128xf32, #tpu.memory_space<hbm>>
    %dma_start3A_36 = tpu.memref_slice %arg7[%dma_start3A_25] : memref<2x!tpu.dma_semaphore, #tpu.memory_space<semaphore_mem>> -> memref<1x!tpu.dma_semaphore, #tpu.memory_space<semaphore_mem>>
    %dma_start3A_37 = tpu.memref_squeeze %dma_start3A_36 : memref<1x!tpu.dma_semaphore, #tpu.memory_space<semaphore_mem>> -> memref<!tpu.dma_semaphore, #tpu.memory_space<semaphore_mem>>
    tpu.enqueue_indirect_dma source(%dma_start3A_35 : memref<1000000x128xf32, #tpu.memory_space<hbm>>) target(%dma_start3A_29 : memref<72x128xf32, #tpu.memory_space<vmem>>) offsets(%dma_start3A_32 : memref<72xi32, #tpu.memory_space<vmem>>) semaphore(%dma_start3A_37 : memref<!tpu.dma_semaphore, #tpu.memory_space<semaphore_mem>>)
    %dma_start3A_38 = arith.constant 0 : i32
    %dma_start3A_39 = arith.constant 1 : i32
    %dma_start3A_40 = arith.constant 0 : i32
    %dma_start3A_41 = arith.constant 1 : i32
    %dma_start3A_42 = arith.constant 0 : i32
    %dma_start3A_43 = arith.constant 0 : i32
    %dma_start3A_44 = arith.constant 0 : i32
    %dma_start3A_45 = tpu.memref_slice %arg6[%dma_start3A_40, %dma_start3A_41, %dma_start3A_43, %dma_start3A_44] : memref<2x2x200x128xf32, #tpu.memory_space<vmem>> -> memref<1x1x128x128xf32, #tpu.memory_space<vmem>>
    %dma_start3A_46 = tpu.memref_squeeze %dma_start3A_45 : memref<1x1x128x128xf32, #tpu.memory_space<vmem>> -> memref<128x128xf32, #tpu.memory_space<vmem>>
    %dma_start3A_47 = arith.constant 0 : i32
    %dma_start3A_48 = tpu.memref_slice %arg5[%dma_start3A_38, %dma_start3A_39, %dma_start3A_47] : memref<2x2x200xi32, #tpu.memory_space<vmem>> -> memref<1x1x128xi32, #tpu.memory_space<vmem>>
    %dma_start3A_49 = tpu.memref_squeeze %dma_start3A_48 : memref<1x1x128xi32, #tpu.memory_space<vmem>> -> memref<128xi32, #tpu.memory_space<vmem>>
    %dma_start3A_50 = arith.constant 0 : i32
    %dma_start3A_51 = arith.constant 0 : i32
    %dma_start3A_52 = tpu.memref_slice %arg3[%dma_start3A_50, %dma_start3A_51] : memref<1000000x128xf32, #tpu.memory_space<hbm>> -> memref<1000000x128xf32, #tpu.memory_space<hbm>>
    %dma_start3A_53 = tpu.memref_slice %arg7[%dma_start3A_42] : memref<2x!tpu.dma_semaphore, #tpu.memory_space<semaphore_mem>> -> memref<1x!tpu.dma_semaphore, #tpu.memory_space<semaphore_mem>>
    %dma_start3A_54 = tpu.memref_squeeze %dma_start3A_53 : memref<1x!tpu.dma_semaphore, #tpu.memory_space<semaphore_mem>> -> memref<!tpu.dma_semaphore, #tpu.memory_space<semaphore_mem>>
    tpu.enqueue_indirect_dma source(%dma_start3A_52 : memref<1000000x128xf32, #tpu.memory_space<hbm>>) target(%dma_start3A_46 : memref<128x128xf32, #tpu.memory_space<vmem>>) offsets(%dma_start3A_49 : memref<128xi32, #tpu.memory_space<vmem>>) semaphore(%dma_start3A_54 : memref<!tpu.dma_semaphore, #tpu.memory_space<semaphore_mem>>)
    %dma_start3A_55 = arith.constant 0 : i32
    %dma_start3A_56 = arith.constant 1 : i32
    %dma_start3A_57 = arith.constant 0 : i32
    %dma_start3A_58 = arith.constant 1 : i32
    %dma_start3A_59 = arith.constant 0 : i32
    %dma_start3A_60 = arith.constant 128 : i32
    %dma_start3A_61 = arith.constant 0 : i32
    %dma_start3A_62 = tpu.memref_slice %arg6[%dma_start3A_57, %dma_start3A_58, %dma_start3A_60, %dma_start3A_61] : memref<2x2x200x128xf32, #tpu.memory_space<vmem>> -> memref<1x1x72x128xf32, #tpu.memory_space<vmem>>
    %dma_start3A_63 = tpu.memref_squeeze %dma_start3A_62 : memref<1x1x72x128xf32, #tpu.memory_space<vmem>> -> memref<72x128xf32, #tpu.memory_space<vmem>>
    %dma_start3A_64 = arith.constant 128 : i32
    %dma_start3A_65 = tpu.memref_slice %arg5[%dma_start3A_55, %dma_start3A_56, %dma_start3A_64] : memref<2x2x200xi32, #tpu.memory_space<vmem>> -> memref<1x1x72xi32, #tpu.memory_space<vmem>>
    %dma_start3A_66 = tpu.memref_squeeze %dma_start3A_65 : memref<1x1x72xi32, #tpu.memory_space<vmem>> -> memref<72xi32, #tpu.memory_space<vmem>>
    %dma_start3A_67 = arith.constant 0 : i32
    %dma_start3A_68 = arith.constant 0 : i32
    %dma_start3A_69 = tpu.memref_slice %arg3[%dma_start3A_67, %dma_start3A_68] : memref<1000000x128xf32, #tpu.memory_space<hbm>> -> memref<1000000x128xf32, #tpu.memory_space<hbm>>
    %dma_start3A_70 = tpu.memref_slice %arg7[%dma_start3A_59] : memref<2x!tpu.dma_semaphore, #tpu.memory_space<semaphore_mem>> -> memref<1x!tpu.dma_semaphore, #tpu.memory_space<semaphore_mem>>
    %dma_start3A_71 = tpu.memref_squeeze %dma_start3A_70 : memref<1x!tpu.dma_semaphore, #tpu.memory_space<semaphore_mem>> -> memref<!tpu.dma_semaphore, #tpu.memory_space<semaphore_mem>>
    tpu.enqueue_indirect_dma source(%dma_start3A_69 : memref<1000000x128xf32, #tpu.memory_space<hbm>>) target(%dma_start3A_63 : memref<72x128xf32, #tpu.memory_space<vmem>>) offsets(%dma_start3A_66 : memref<72xi32, #tpu.memory_space<vmem>>) semaphore(%dma_start3A_71 : memref<!tpu.dma_semaphore, #tpu.memory_space<semaphore_mem>>)
    %scan3A = arith.constant 0 : i32
    %scan3A_72 = arith.constant 0 : i32
    %scan3A_73 = arith.constant 32 : i32
    %scan3A_74 = arith.addi %scan3A_72, %scan3A_73 : i32
    %scan3A_75 = arith.constant 1 : i32
    %scan3A_76 = scf.for %scan3A_121 = %scan3A_72 to %scan3A_74 step %scan3A_75 iter_args(%scan3A_122 = %scan3A) -> (i32)  : i32 {
      %mul3A_123 = arith.constant 2 : i32
      %mul3A_124 = arith.muli %scan3A_121, %mul3A_123 : i32
      %add3A_125 = arith.constant 1 : i32
      %add3A_126 = arith.addi %mul3A_124, %add3A_125 : i32
      %mul3A_127 = arith.constant 2 : i32
      %mul3A_128 = arith.muli %add3A_126, %mul3A_127 : i32
      %add3A_129 = arith.addi %mul3A_2, %mul3A_128 : i32
      %run_scoped3A_130 = arith.constant 1 : i32
      "tpu.region"() ({
        %run_scoped3A_395 = tpu.sem_alloc : memref<!tpu.dma_semaphore, #tpu.memory_space<semaphore_mem>>
        %dma_start3A_396 = arith.constant 0 : i32
        %dma_start3A_397 = arith.constant 0 : i32
        %dma_start3A_398 = tpu.memref_slice %arg5[%run_scoped3A_130, %dma_start3A_396, %dma_start3A_397] : memref<2x2x200xi32, #tpu.memory_space<vmem>> -> memref<1x2x200xi32, #tpu.memory_space<vmem>>
        %dma_start3A_399 = tpu.memref_squeeze %dma_start3A_398 : memref<1x2x200xi32, #tpu.memory_space<vmem>> -> memref<2x200xi32, #tpu.memory_space<vmem>>
        %dma_start3A_400 = arith.constant 0 : i32
        %dma_start3A_401 = tpu.memref_slice %arg2[%add3A_129, %dma_start3A_400] : memref<4096x200xi32, #tpu.memory_space<hbm>> -> memref<2x200xi32, #tpu.memory_space<hbm>>
        %dma_start3A_402 = arith.constant 0 : i32
        %dma_start3A_403 = arith.constant 0 : i32
        %dma_start3A_404 = tpu.memref_slice %arg5[%run_scoped3A_130, %dma_start3A_402, %dma_start3A_403] : memref<2x2x200xi32, #tpu.memory_space<vmem>> -> memref<1x2x200xi32, #tpu.memory_space<vmem>>
        %dma_start3A_405 = tpu.memref_squeeze %dma_start3A_404 : memref<1x2x200xi32, #tpu.memory_space<vmem>> -> memref<2x200xi32, #tpu.memory_space<vmem>>
        %dma_start3A_406 = arith.constant 0 : i32
        %dma_start3A_407 = tpu.memref_slice %arg2[%add3A_129, %dma_start3A_406] : memref<4096x200xi32, #tpu.memory_space<hbm>> -> memref<2x200xi32, #tpu.memory_space<hbm>>
        tpu.enqueue_dma source(%dma_start3A_407 : memref<2x200xi32, #tpu.memory_space<hbm>>) target(%dma_start3A_405 : memref<2x200xi32, #tpu.memory_space<vmem>>) target_semaphore(%run_scoped3A_395 : memref<!tpu.dma_semaphore, #tpu.memory_space<semaphore_mem>>)
        %dma_wait3A_408 = arith.constant 0 : i32
        %dma_wait3A_409 = arith.constant 0 : i32
        %dma_wait3A_410 = tpu.memref_slice %arg5[%run_scoped3A_130, %dma_wait3A_408, %dma_wait3A_409] : memref<2x2x200xi32, #tpu.memory_space<vmem>> -> memref<1x2x200xi32, #tpu.memory_space<vmem>>
        %dma_wait3A_411 = tpu.memref_squeeze %dma_wait3A_410 : memref<1x2x200xi32, #tpu.memory_space<vmem>> -> memref<2x200xi32, #tpu.memory_space<vmem>>
        %dma_wait3A_412 = arith.constant 0 : i32
        %dma_wait3A_413 = tpu.memref_slice %arg2[%add3A_129, %dma_wait3A_412] : memref<4096x200xi32, #tpu.memory_space<hbm>> -> memref<2x200xi32, #tpu.memory_space<hbm>>
        %dma_wait3A_414 = arith.constant 0 : i32
        %dma_wait3A_415 = arith.constant 0 : i32
        %dma_wait3A_416 = tpu.memref_slice %arg5[%run_scoped3A_130, %dma_wait3A_414, %dma_wait3A_415] : memref<2x2x200xi32, #tpu.memory_space<vmem>> -> memref<1x2x200xi32, #tpu.memory_space<vmem>>
        %dma_wait3A_417 = tpu.memref_squeeze %dma_wait3A_416 : memref<1x2x200xi32, #tpu.memory_space<vmem>> -> memref<2x200xi32, #tpu.memory_space<vmem>>
        %dma_wait3A_418 = arith.constant 0 : i32
        %dma_wait3A_419 = tpu.memref_slice %arg2[%add3A_129, %dma_wait3A_418] : memref<4096x200xi32, #tpu.memory_space<hbm>> -> memref<2x200xi32, #tpu.memory_space<hbm>>
        tpu.wait_dma2 semaphore(%run_scoped3A_395 : memref<!tpu.dma_semaphore, #tpu.memory_space<semaphore_mem>>) src(%dma_wait3A_419 : memref<2x200xi32, #tpu.memory_space<hbm>>) dst(%dma_wait3A_417 : memref<2x200xi32, #tpu.memory_space<vmem>>)
        tpu.yield
      }) : () -> ()
      %dma_start3A_131 = arith.constant 1 : i32
      %dma_start3A_132 = arith.constant 0 : i32
      %dma_start3A_133 = arith.constant 1 : i32
      %dma_start3A_134 = arith.constant 0 : i32
      %dma_start3A_135 = arith.constant 1 : i32
      %dma_start3A_136 = arith.constant 0 : i32
      %dma_start3A_137 = arith.constant 0 : i32
      %dma_start3A_138 = tpu.memref_slice %arg6[%dma_start3A_133, %dma_start3A_134, %dma_start3A_136, %dma_start3A_137] : memref<2x2x200x128xf32, #tpu.memory_space<vmem>> -> memref<1x1x128x128xf32, #tpu.memory_space<vmem>>
      %dma_start3A_139 = tpu.memref_squeeze %dma_start3A_138 : memref<1x1x128x128xf32, #tpu.memory_space<vmem>> -> memref<128x128xf32, #tpu.memory_space<vmem>>
      %dma_start3A_140 = arith.constant 0 : i32
      %dma_start3A_141 = tpu.memref_slice %arg5[%dma_start3A_131, %dma_start3A_132, %dma_start3A_140] : memref<2x2x200xi32, #tpu.memory_space<vmem>> -> memref<1x1x128xi32, #tpu.memory_space<vmem>>
      %dma_start3A_142 = tpu.memref_squeeze %dma_start3A_141 : memref<1x1x128xi32, #tpu.memory_space<vmem>> -> memref<128xi32, #tpu.memory_space<vmem>>
      %dma_start3A_143 = arith.constant 0 : i32
      %dma_start3A_144 = arith.constant 0 : i32
      %dma_start3A_145 = tpu.memref_slice %arg3[%dma_start3A_143, %dma_start3A_144] : memref<1000000x128xf32, #tpu.memory_space<hbm>> -> memref<1000000x128xf32, #tpu.memory_space<hbm>>
      %dma_start3A_146 = tpu.memref_slice %arg7[%dma_start3A_135] : memref<2x!tpu.dma_semaphore, #tpu.memory_space<semaphore_mem>> -> memref<1x!tpu.dma_semaphore, #tpu.memory_space<semaphore_mem>>
      %dma_start3A_147 = tpu.memref_squeeze %dma_start3A_146 : memref<1x!tpu.dma_semaphore, #tpu.memory_space<semaphore_mem>> -> memref<!tpu.dma_semaphore, #tpu.memory_space<semaphore_mem>>
      tpu.enqueue_indirect_dma source(%dma_start3A_145 : memref<1000000x128xf32, #tpu.memory_space<hbm>>) target(%dma_start3A_139 : memref<128x128xf32, #tpu.memory_space<vmem>>) offsets(%dma_start3A_142 : memref<128xi32, #tpu.memory_space<vmem>>) semaphore(%dma_start3A_147 : memref<!tpu.dma_semaphore, #tpu.memory_space<semaphore_mem>>)
      %dma_start3A_148 = arith.constant 1 : i32
      %dma_start3A_149 = arith.constant 0 : i32
      %dma_start3A_150 = arith.constant 1 : i32
      %dma_start3A_151 = arith.constant 0 : i32
      %dma_start3A_152 = arith.constant 1 : i32
      %dma_start3A_153 = arith.constant 128 : i32
      %dma_start3A_154 = arith.constant 0 : i32
      %dma_start3A_155 = tpu.memref_slice %arg6[%dma_start3A_150, %dma_start3A_151, %dma_start3A_153, %dma_start3A_154] : memref<2x2x200x128xf32, #tpu.memory_space<vmem>> -> memref<1x1x72x128xf32, #tpu.memory_space<vmem>>
      %dma_start3A_156 = tpu.memref_squeeze %dma_start3A_155 : memref<1x1x72x128xf32, #tpu.memory_space<vmem>> -> memref<72x128xf32, #tpu.memory_space<vmem>>
      %dma_start3A_157 = arith.constant 128 : i32
      %dma_start3A_158 = tpu.memref_slice %arg5[%dma_start3A_148, %dma_start3A_149, %dma_start3A_157] : memref<2x2x200xi32, #tpu.memory_space<vmem>> -> memref<1x1x72xi32, #tpu.memory_space<vmem>>
      %dma_start3A_159 = tpu.memref_squeeze %dma_start3A_158 : memref<1x1x72xi32, #tpu.memory_space<vmem>> -> memref<72xi32, #tpu.memory_space<vmem>>
      %dma_start3A_160 = arith.constant 0 : i32
      %dma_start3A_161 = arith.constant 0 : i32
      %dma_start3A_162 = tpu.memref_slice %arg3[%dma_start3A_160, %dma_start3A_161] : memref<1000000x128xf32, #tpu.memory_space<hbm>> -> memref<1000000x128xf32, #tpu.memory_space<hbm>>
      %dma_start3A_163 = tpu.memref_slice %arg7[%dma_start3A_152] : memref<2x!tpu.dma_semaphore, #tpu.memory_space<semaphore_mem>> -> memref<1x!tpu.dma_semaphore, #tpu.memory_space<semaphore_mem>>
      %dma_start3A_164 = tpu.memref_squeeze %dma_start3A_163 : memref<1x!tpu.dma_semaphore, #tpu.memory_space<semaphore_mem>> -> memref<!tpu.dma_semaphore, #tpu.memory_space<semaphore_mem>>
      tpu.enqueue_indirect_dma source(%dma_start3A_162 : memref<1000000x128xf32, #tpu.memory_space<hbm>>) target(%dma_start3A_156 : memref<72x128xf32, #tpu.memory_space<vmem>>) offsets(%dma_start3A_159 : memref<72xi32, #tpu.memory_space<vmem>>) semaphore(%dma_start3A_164 : memref<!tpu.dma_semaphore, #tpu.memory_space<semaphore_mem>>)
      %dma_start3A_165 = arith.constant 1 : i32
      %dma_start3A_166 = arith.constant 1 : i32
      %dma_start3A_167 = arith.constant 1 : i32
      %dma_start3A_168 = arith.constant 1 : i32
      %dma_start3A_169 = arith.constant 1 : i32
      %dma_start3A_170 = arith.constant 0 : i32
      %dma_start3A_171 = arith.constant 0 : i32
      %dma_start3A_172 = tpu.memref_slice %arg6[%dma_start3A_167, %dma_start3A_168, %dma_start3A_170, %dma_start3A_171] : memref<2x2x200x128xf32, #tpu.memory_space<vmem>> -> memref<1x1x128x128xf32, #tpu.memory_space<vmem>>
      %dma_start3A_173 = tpu.memref_squeeze %dma_start3A_172 : memref<1x1x128x128xf32, #tpu.memory_space<vmem>> -> memref<128x128xf32, #tpu.memory_space<vmem>>
      %dma_start3A_174 = arith.constant 0 : i32
      %dma_start3A_175 = tpu.memref_slice %arg5[%dma_start3A_165, %dma_start3A_166, %dma_start3A_174] : memref<2x2x200xi32, #tpu.memory_space<vmem>> -> memref<1x1x128xi32, #tpu.memory_space<vmem>>
      %dma_start3A_176 = tpu.memref_squeeze %dma_start3A_175 : memref<1x1x128xi32, #tpu.memory_space<vmem>> -> memref<128xi32, #tpu.memory_space<vmem>>
      %dma_start3A_177 = arith.constant 0 : i32
      %dma_start3A_178 = arith.constant 0 : i32
      %dma_start3A_179 = tpu.memref_slice %arg3[%dma_start3A_177, %dma_start3A_178] : memref<1000000x128xf32, #tpu.memory_space<hbm>> -> memref<1000000x128xf32, #tpu.memory_space<hbm>>
      %dma_start3A_180 = tpu.memref_slice %arg7[%dma_start3A_169] : memref<2x!tpu.dma_semaphore, #tpu.memory_space<semaphore_mem>> -> memref<1x!tpu.dma_semaphore, #tpu.memory_space<semaphore_mem>>
      %dma_start3A_181 = tpu.memref_squeeze %dma_start3A_180 : memref<1x!tpu.dma_semaphore, #tpu.memory_space<semaphore_mem>> -> memref<!tpu.dma_semaphore, #tpu.memory_space<semaphore_mem>>
      tpu.enqueue_indirect_dma source(%dma_start3A_179 : memref<1000000x128xf32, #tpu.memory_space<hbm>>) target(%dma_start3A_173 : memref<128x128xf32, #tpu.memory_space<vmem>>) offsets(%dma_start3A_176 : memref<128xi32, #tpu.memory_space<vmem>>) semaphore(%dma_start3A_181 : memref<!tpu.dma_semaphore, #tpu.memory_space<semaphore_mem>>)
      %dma_start3A_182 = arith.constant 1 : i32
      %dma_start3A_183 = arith.constant 1 : i32
      %dma_start3A_184 = arith.constant 1 : i32
      %dma_start3A_185 = arith.constant 1 : i32
      %dma_start3A_186 = arith.constant 1 : i32
      %dma_start3A_187 = arith.constant 128 : i32
      %dma_start3A_188 = arith.constant 0 : i32
      %dma_start3A_189 = tpu.memref_slice %arg6[%dma_start3A_184, %dma_start3A_185, %dma_start3A_187, %dma_start3A_188] : memref<2x2x200x128xf32, #tpu.memory_space<vmem>> -> memref<1x1x72x128xf32, #tpu.memory_space<vmem>>
      %dma_start3A_190 = tpu.memref_squeeze %dma_start3A_189 : memref<1x1x72x128xf32, #tpu.memory_space<vmem>> -> memref<72x128xf32, #tpu.memory_space<vmem>>
      %dma_start3A_191 = arith.constant 128 : i32
      %dma_start3A_192 = tpu.memref_slice %arg5[%dma_start3A_182, %dma_start3A_183, %dma_start3A_191] : memref<2x2x200xi32, #tpu.memory_space<vmem>> -> memref<1x1x72xi32, #tpu.memory_space<vmem>>
      %dma_start3A_193 = tpu.memref_squeeze %dma_start3A_192 : memref<1x1x72xi32, #tpu.memory_space<vmem>> -> memref<72xi32, #tpu.memory_space<vmem>>
      %dma_start3A_194 = arith.constant 0 : i32
      %dma_start3A_195 = arith.constant 0 : i32
      %dma_start3A_196 = tpu.memref_slice %arg3[%dma_start3A_194, %dma_start3A_195] : memref<1000000x128xf32, #tpu.memory_space<hbm>> -> memref<1000000x128xf32, #tpu.memory_space<hbm>>
      %dma_start3A_197 = tpu.memref_slice %arg7[%dma_start3A_186] : memref<2x!tpu.dma_semaphore, #tpu.memory_space<semaphore_mem>> -> memref<1x!tpu.dma_semaphore, #tpu.memory_space<semaphore_mem>>
      %dma_start3A_198 = tpu.memref_squeeze %dma_start3A_197 : memref<1x!tpu.dma_semaphore, #tpu.memory_space<semaphore_mem>> -> memref<!tpu.dma_semaphore, #tpu.memory_space<semaphore_mem>>
      tpu.enqueue_indirect_dma source(%dma_start3A_196 : memref<1000000x128xf32, #tpu.memory_space<hbm>>) target(%dma_start3A_190 : memref<72x128xf32, #tpu.memory_space<vmem>>) offsets(%dma_start3A_193 : memref<72xi32, #tpu.memory_space<vmem>>) semaphore(%dma_start3A_198 : memref<!tpu.dma_semaphore, #tpu.memory_space<semaphore_mem>>)
      %mul3A_199 = arith.constant 2 : i32
      %mul3A_200 = arith.muli %mul3A_124, %mul3A_199 : i32
      %add3A_201 = arith.addi %mul3A_2, %mul3A_200 : i32
      %dma_wait3A_202 = arith.constant 0 : i32
      %dma_wait3A_203 = arith.constant 0 : i32
      %dma_wait3A_204 = arith.constant 0 : i32
      %dma_wait3A_205 = arith.constant 0 : i32
      %dma_wait3A_206 = arith.constant 0 : i32
      %dma_wait3A_207 = arith.constant 0 : i32
      %dma_wait3A_208 = arith.constant 0 : i32
      %dma_wait3A_209 = tpu.memref_slice %arg6[%dma_wait3A_204, %dma_wait3A_205, %dma_wait3A_207, %dma_wait3A_208] : memref<2x2x200x128xf32, #tpu.memory_space<vmem>> -> memref<1x1x128x128xf32, #tpu.memory_space<vmem>>
      %dma_wait3A_210 = tpu.memref_squeeze %dma_wait3A_209 : memref<1x1x128x128xf32, #tpu.memory_space<vmem>> -> memref<128x128xf32, #tpu.memory_space<vmem>>
      %dma_wait3A_211 = arith.constant 0 : i32
      %dma_wait3A_212 = tpu.memref_slice %arg5[%dma_wait3A_202, %dma_wait3A_203, %dma_wait3A_211] : memref<2x2x200xi32, #tpu.memory_space<vmem>> -> memref<1x1x128xi32, #tpu.memory_space<vmem>>
      %dma_wait3A_213 = tpu.memref_squeeze %dma_wait3A_212 : memref<1x1x128xi32, #tpu.memory_space<vmem>> -> memref<128xi32, #tpu.memory_space<vmem>>
      %dma_wait3A_214 = arith.constant 0 : i32
      %dma_wait3A_215 = arith.constant 0 : i32
      %dma_wait3A_216 = tpu.memref_slice %arg3[%dma_wait3A_214, %dma_wait3A_215] : memref<1000000x128xf32, #tpu.memory_space<hbm>> -> memref<1000000x128xf32, #tpu.memory_space<hbm>>
      %dma_wait3A_217 = tpu.memref_slice %arg7[%dma_wait3A_206] : memref<2x!tpu.dma_semaphore, #tpu.memory_space<semaphore_mem>> -> memref<1x!tpu.dma_semaphore, #tpu.memory_space<semaphore_mem>>
      %dma_wait3A_218 = tpu.memref_squeeze %dma_wait3A_217 : memref<1x!tpu.dma_semaphore, #tpu.memory_space<semaphore_mem>> -> memref<!tpu.dma_semaphore, #tpu.memory_space<semaphore_mem>>
      tpu.wait_indirect_dma semaphore(%dma_wait3A_218 : memref<!tpu.dma_semaphore, #tpu.memory_space<semaphore_mem>>) src(%dma_wait3A_216 : memref<1000000x128xf32, #tpu.memory_space<hbm>>) dst(%dma_wait3A_210 : memref<128x128xf32, #tpu.memory_space<vmem>>)
      %dma_wait3A_219 = arith.constant 0 : i32
      %dma_wait3A_220 = arith.constant 0 : i32
      %dma_wait3A_221 = arith.constant 0 : i32
      %dma_wait3A_222 = arith.constant 0 : i32
      %dma_wait3A_223 = arith.constant 0 : i32
      %dma_wait3A_224 = arith.constant 128 : i32
      %dma_wait3A_225 = arith.constant 0 : i32
      %dma_wait3A_226 = tpu.memref_slice %arg6[%dma_wait3A_221, %dma_wait3A_222, %dma_wait3A_224, %dma_wait3A_225] : memref<2x2x200x128xf32, #tpu.memory_space<vmem>> -> memref<1x1x72x128xf32, #tpu.memory_space<vmem>>
      %dma_wait3A_227 = tpu.memref_squeeze %dma_wait3A_226 : memref<1x1x72x128xf32, #tpu.memory_space<vmem>> -> memref<72x128xf32, #tpu.memory_space<vmem>>
      %dma_wait3A_228 = arith.constant 128 : i32
      %dma_wait3A_229 = tpu.memref_slice %arg5[%dma_wait3A_219, %dma_wait3A_220, %dma_wait3A_228] : memref<2x2x200xi32, #tpu.memory_space<vmem>> -> memref<1x1x72xi32, #tpu.memory_space<vmem>>
      %dma_wait3A_230 = tpu.memref_squeeze %dma_wait3A_229 : memref<1x1x72xi32, #tpu.memory_space<vmem>> -> memref<72xi32, #tpu.memory_space<vmem>>
      %dma_wait3A_231 = arith.constant 0 : i32
      %dma_wait3A_232 = arith.constant 0 : i32
      %dma_wait3A_233 = tpu.memref_slice %arg3[%dma_wait3A_231, %dma_wait3A_232] : memref<1000000x128xf32, #tpu.memory_space<hbm>> -> memref<1000000x128xf32, #tpu.memory_space<hbm>>
      %dma_wait3A_234 = tpu.memref_slice %arg7[%dma_wait3A_223] : memref<2x!tpu.dma_semaphore, #tpu.memory_space<semaphore_mem>> -> memref<1x!tpu.dma_semaphore, #tpu.memory_space<semaphore_mem>>
      %dma_wait3A_235 = tpu.memref_squeeze %dma_wait3A_234 : memref<1x!tpu.dma_semaphore, #tpu.memory_space<semaphore_mem>> -> memref<!tpu.dma_semaphore, #tpu.memory_space<semaphore_mem>>
      tpu.wait_indirect_dma semaphore(%dma_wait3A_235 : memref<!tpu.dma_semaphore, #tpu.memory_space<semaphore_mem>>) src(%dma_wait3A_233 : memref<1000000x128xf32, #tpu.memory_space<hbm>>) dst(%dma_wait3A_227 : memref<72x128xf32, #tpu.memory_space<vmem>>)
      %dma_wait3A_236 = arith.constant 0 : i32
      %dma_wait3A_237 = arith.constant 1 : i32
      %dma_wait3A_238 = arith.constant 0 : i32
      %dma_wait3A_239 = arith.constant 1 : i32
      %dma_wait3A_240 = arith.constant 0 : i32
      %dma_wait3A_241 = arith.constant 0 : i32
      %dma_wait3A_242 = arith.constant 0 : i32
      %dma_wait3A_243 = tpu.memref_slice %arg6[%dma_wait3A_238, %dma_wait3A_239, %dma_wait3A_241, %dma_wait3A_242] : memref<2x2x200x128xf32, #tpu.memory_space<vmem>> -> memref<1x1x128x128xf32, #tpu.memory_space<vmem>>
      %dma_wait3A_244 = tpu.memref_squeeze %dma_wait3A_243 : memref<1x1x128x128xf32, #tpu.memory_space<vmem>> -> memref<128x128xf32, #tpu.memory_space<vmem>>
      %dma_wait3A_245 = arith.constant 0 : i32
      %dma_wait3A_246 = tpu.memref_slice %arg5[%dma_wait3A_236, %dma_wait3A_237, %dma_wait3A_245] : memref<2x2x200xi32, #tpu.memory_space<vmem>> -> memref<1x1x128xi32, #tpu.memory_space<vmem>>
      %dma_wait3A_247 = tpu.memref_squeeze %dma_wait3A_246 : memref<1x1x128xi32, #tpu.memory_space<vmem>> -> memref<128xi32, #tpu.memory_space<vmem>>
      %dma_wait3A_248 = arith.constant 0 : i32
      %dma_wait3A_249 = arith.constant 0 : i32
      %dma_wait3A_250 = tpu.memref_slice %arg3[%dma_wait3A_248, %dma_wait3A_249] : memref<1000000x128xf32, #tpu.memory_space<hbm>> -> memref<1000000x128xf32, #tpu.memory_space<hbm>>
      %dma_wait3A_251 = tpu.memref_slice %arg7[%dma_wait3A_240] : memref<2x!tpu.dma_semaphore, #tpu.memory_space<semaphore_mem>> -> memref<1x!tpu.dma_semaphore, #tpu.memory_space<semaphore_mem>>
      %dma_wait3A_252 = tpu.memref_squeeze %dma_wait3A_251 : memref<1x!tpu.dma_semaphore, #tpu.memory_space<semaphore_mem>> -> memref<!tpu.dma_semaphore, #tpu.memory_space<semaphore_mem>>
      tpu.wait_indirect_dma semaphore(%dma_wait3A_252 : memref<!tpu.dma_semaphore, #tpu.memory_space<semaphore_mem>>) src(%dma_wait3A_250 : memref<1000000x128xf32, #tpu.memory_space<hbm>>) dst(%dma_wait3A_244 : memref<128x128xf32, #tpu.memory_space<vmem>>)
      %dma_wait3A_253 = arith.constant 0 : i32
      %dma_wait3A_254 = arith.constant 1 : i32
      %dma_wait3A_255 = arith.constant 0 : i32
      %dma_wait3A_256 = arith.constant 1 : i32
      %dma_wait3A_257 = arith.constant 0 : i32
      %dma_wait3A_258 = arith.constant 128 : i32
      %dma_wait3A_259 = arith.constant 0 : i32
      %dma_wait3A_260 = tpu.memref_slice %arg6[%dma_wait3A_255, %dma_wait3A_256, %dma_wait3A_258, %dma_wait3A_259] : memref<2x2x200x128xf32, #tpu.memory_space<vmem>> -> memref<1x1x72x128xf32, #tpu.memory_space<vmem>>
      %dma_wait3A_261 = tpu.memref_squeeze %dma_wait3A_260 : memref<1x1x72x128xf32, #tpu.memory_space<vmem>> -> memref<72x128xf32, #tpu.memory_space<vmem>>
      %dma_wait3A_262 = arith.constant 128 : i32
      %dma_wait3A_263 = tpu.memref_slice %arg5[%dma_wait3A_253, %dma_wait3A_254, %dma_wait3A_262] : memref<2x2x200xi32, #tpu.memory_space<vmem>> -> memref<1x1x72xi32, #tpu.memory_space<vmem>>
      %dma_wait3A_264 = tpu.memref_squeeze %dma_wait3A_263 : memref<1x1x72xi32, #tpu.memory_space<vmem>> -> memref<72xi32, #tpu.memory_space<vmem>>
      %dma_wait3A_265 = arith.constant 0 : i32
      %dma_wait3A_266 = arith.constant 0 : i32
      %dma_wait3A_267 = tpu.memref_slice %arg3[%dma_wait3A_265, %dma_wait3A_266] : memref<1000000x128xf32, #tpu.memory_space<hbm>> -> memref<1000000x128xf32, #tpu.memory_space<hbm>>
      %dma_wait3A_268 = tpu.memref_slice %arg7[%dma_wait3A_257] : memref<2x!tpu.dma_semaphore, #tpu.memory_space<semaphore_mem>> -> memref<1x!tpu.dma_semaphore, #tpu.memory_space<semaphore_mem>>
      %dma_wait3A_269 = tpu.memref_squeeze %dma_wait3A_268 : memref<1x!tpu.dma_semaphore, #tpu.memory_space<semaphore_mem>> -> memref<!tpu.dma_semaphore, #tpu.memory_space<semaphore_mem>>
      tpu.wait_indirect_dma semaphore(%dma_wait3A_269 : memref<!tpu.dma_semaphore, #tpu.memory_space<semaphore_mem>>) src(%dma_wait3A_267 : memref<1000000x128xf32, #tpu.memory_space<hbm>>) dst(%dma_wait3A_261 : memref<72x128xf32, #tpu.memory_space<vmem>>)
      %dma_start3A_270 = arith.constant 0 : i32
      %dma_start3A_271 = arith.constant 0 : i32
      %dma_start3A_272 = arith.constant 0 : i32
      %dma_start3A_273 = arith.constant 0 : i32
      %dma_start3A_274 = arith.constant 0 : i32
      %dma_start3A_275 = tpu.memref_slice %arg6[%dma_start3A_270, %dma_start3A_272, %dma_start3A_273, %dma_start3A_274] : memref<2x2x200x128xf32, #tpu.memory_space<vmem>> -> memref<1x2x200x64xf32, #tpu.memory_space<vmem>>
      %dma_start3A_276 = tpu.memref_squeeze %dma_start3A_275 : memref<1x2x200x64xf32, #tpu.memory_space<vmem>> -> memref<2x200x64xf32, #tpu.memory_space<vmem>>
      %dma_start3A_277 = arith.constant 0 : i32
      %dma_start3A_278 = arith.constant 0 : i32
      %dma_start3A_279 = tpu.memref_slice %arg4[%add3A_201, %dma_start3A_277, %dma_start3A_278] : memref<4096x200x128xf32, #tpu.memory_space<hbm>> -> memref<2x200x64xf32, #tpu.memory_space<hbm>>
      %dma_start3A_280 = tpu.memref_slice %arg8[%dma_start3A_271] : memref<2x!tpu.dma_semaphore, #tpu.memory_space<semaphore_mem>> -> memref<1x!tpu.dma_semaphore, #tpu.memory_space<semaphore_mem>>
      %dma_start3A_281 = tpu.memref_squeeze %dma_start3A_280 : memref<1x!tpu.dma_semaphore, #tpu.memory_space<semaphore_mem>> -> memref<!tpu.dma_semaphore, #tpu.memory_space<semaphore_mem>>
      %dma_start3A_282 = arith.constant 0 : i32
      %dma_start3A_283 = arith.constant 0 : i32
      %dma_start3A_284 = tpu.memref_slice %arg4[%add3A_201, %dma_start3A_282, %dma_start3A_283] : memref<4096x200x128xf32, #tpu.memory_space<hbm>> -> memref<2x200x64xf32, #tpu.memory_space<hbm>>
      %dma_start3A_285 = arith.constant 0 : i32
      %dma_start3A_286 = arith.constant 0 : i32
      %dma_start3A_287 = arith.constant 0 : i32
      %dma_start3A_288 = tpu.memref_slice %arg6[%dma_start3A_270, %dma_start3A_285, %dma_start3A_286, %dma_start3A_287] : memref<2x2x200x128xf32, #tpu.memory_space<vmem>> -> memref<1x2x200x64xf32, #tpu.memory_space<vmem>>
      %dma_start3A_289 = tpu.memref_squeeze %dma_start3A_288 : memref<1x2x200x64xf32, #tpu.memory_space<vmem>> -> memref<2x200x64xf32, #tpu.memory_space<vmem>>
      tpu.enqueue_dma source(%dma_start3A_289 : memref<2x200x64xf32, #tpu.memory_space<vmem>>) target(%dma_start3A_284 : memref<2x200x64xf32, #tpu.memory_space<hbm>>) target_semaphore(%dma_start3A_281 : memref<!tpu.dma_semaphore, #tpu.memory_space<semaphore_mem>>)
      %add3A_290 = arith.constant 1 : i32
      %add3A_291 = arith.addi %scan3A_121, %add3A_290 : i32
      %lt3A = arith.constant 32 : i32
      %lt3A_292 = arith.cmpi slt, %add3A_291, %lt3A : i32
      %convert_element_type3A = arith.extui %lt3A_292 : i1 to i32
      %cond3A = arith.constant 0 : i32
      %cond3A_293 = arith.cmpi ne, %convert_element_type3A, %cond3A : i32
      scf.if %cond3A_293 {
        %mul3A_395 = arith.constant 2 : i32
        %mul3A_396 = arith.muli %mul3A_124, %mul3A_395 : i32
        %add3A_397 = arith.addi %mul3A_2, %mul3A_396 : i32
        %dma_wait3A_398 = arith.constant 0 : i32
        %dma_wait3A_399 = arith.constant 0 : i32
        %dma_wait3A_400 = arith.constant 0 : i32
        %dma_wait3A_401 = arith.constant 0 : i32
        %dma_wait3A_402 = arith.constant 0 : i32
        %dma_wait3A_403 = tpu.memref_slice %arg6[%dma_wait3A_398, %dma_wait3A_400, %dma_wait3A_401, %dma_wait3A_402] : memref<2x2x200x128xf32, #tpu.memory_space<vmem>> -> memref<1x2x200x64xf32, #tpu.memory_space<vmem>>
        %dma_wait3A_404 = tpu.memref_squeeze %dma_wait3A_403 : memref<1x2x200x64xf32, #tpu.memory_space<vmem>> -> memref<2x200x64xf32, #tpu.memory_space<vmem>>
        %dma_wait3A_405 = arith.constant 0 : i32
        %dma_wait3A_406 = arith.constant 0 : i32
        %dma_wait3A_407 = tpu.memref_slice %arg4[%add3A_397, %dma_wait3A_405, %dma_wait3A_406] : memref<4096x200x128xf32, #tpu.memory_space<hbm>> -> memref<2x200x64xf32, #tpu.memory_space<hbm>>
        %dma_wait3A_408 = tpu.memref_slice %arg8[%dma_wait3A_399] : memref<2x!tpu.dma_semaphore, #tpu.memory_space<semaphore_mem>> -> memref<1x!tpu.dma_semaphore, #tpu.memory_space<semaphore_mem>>
        %dma_wait3A_409 = tpu.memref_squeeze %dma_wait3A_408 : memref<1x!tpu.dma_semaphore, #tpu.memory_space<semaphore_mem>> -> memref<!tpu.dma_semaphore, #tpu.memory_space<semaphore_mem>>
        %dma_wait3A_410 = arith.constant 0 : i32
        %dma_wait3A_411 = arith.constant 0 : i32
        %dma_wait3A_412 = tpu.memref_slice %arg4[%add3A_397, %dma_wait3A_410, %dma_wait3A_411] : memref<4096x200x128xf32, #tpu.memory_space<hbm>> -> memref<2x200x64xf32, #tpu.memory_space<hbm>>
        %dma_wait3A_413 = arith.constant 0 : i32
        %dma_wait3A_414 = arith.constant 0 : i32
        %dma_wait3A_415 = arith.constant 0 : i32
        %dma_wait3A_416 = tpu.memref_slice %arg6[%dma_wait3A_398, %dma_wait3A_413, %dma_wait3A_414, %dma_wait3A_415] : memref<2x2x200x128xf32, #tpu.memory_space<vmem>> -> memref<1x2x200x64xf32, #tpu.memory_space<vmem>>
        %dma_wait3A_417 = tpu.memref_squeeze %dma_wait3A_416 : memref<1x2x200x64xf32, #tpu.memory_space<vmem>> -> memref<2x200x64xf32, #tpu.memory_space<vmem>>
        tpu.wait_dma2 semaphore(%dma_wait3A_409 : memref<!tpu.dma_semaphore, #tpu.memory_space<semaphore_mem>>) src(%dma_wait3A_417 : memref<2x200x64xf32, #tpu.memory_space<vmem>>) dst(%dma_wait3A_412 : memref<2x200x64xf32, #tpu.memory_space<hbm>>)
        %add3A_418 = arith.constant 2 : i32
        %add3A_419 = arith.addi %mul3A_124, %add3A_418 : i32
        %mul3A_420 = arith.constant 2 : i32
        %mul3A_421 = arith.muli %add3A_419, %mul3A_420 : i32
        %add3A_422 = arith.addi %mul3A_2, %mul3A_421 : i32
        %run_scoped3A_423 = arith.constant 0 : i32
        "tpu.region"() ({
          %run_scoped3A_492 = tpu.sem_alloc : memref<!tpu.dma_semaphore, #tpu.memory_space<semaphore_mem>>
          %dma_start3A_493 = arith.constant 0 : i32
          %dma_start3A_494 = arith.constant 0 : i32
          %dma_start3A_495 = tpu.memref_slice %arg5[%run_scoped3A_423, %dma_start3A_493, %dma_start3A_494] : memref<2x2x200xi32, #tpu.memory_space<vmem>> -> memref<1x2x200xi32, #tpu.memory_space<vmem>>
          %dma_start3A_496 = tpu.memref_squeeze %dma_start3A_495 : memref<1x2x200xi32, #tpu.memory_space<vmem>> -> memref<2x200xi32, #tpu.memory_space<vmem>>
          %dma_start3A_497 = arith.constant 0 : i32
          %dma_start3A_498 = tpu.memref_slice %arg2[%add3A_422, %dma_start3A_497] : memref<4096x200xi32, #tpu.memory_space<hbm>> -> memref<2x200xi32, #tpu.memory_space<hbm>>
          %dma_start3A_499 = arith.constant 0 : i32
          %dma_start3A_500 = arith.constant 0 : i32
          %dma_start3A_501 = tpu.memref_slice %arg5[%run_scoped3A_423, %dma_start3A_499, %dma_start3A_500] : memref<2x2x200xi32, #tpu.memory_space<vmem>> -> memref<1x2x200xi32, #tpu.memory_space<vmem>>
          %dma_start3A_502 = tpu.memref_squeeze %dma_start3A_501 : memref<1x2x200xi32, #tpu.memory_space<vmem>> -> memref<2x200xi32, #tpu.memory_space<vmem>>
          %dma_start3A_503 = arith.constant 0 : i32
          %dma_start3A_504 = tpu.memref_slice %arg2[%add3A_422, %dma_start3A_503] : memref<4096x200xi32, #tpu.memory_space<hbm>> -> memref<2x200xi32, #tpu.memory_space<hbm>>
          tpu.enqueue_dma source(%dma_start3A_504 : memref<2x200xi32, #tpu.memory_space<hbm>>) target(%dma_start3A_502 : memref<2x200xi32, #tpu.memory_space<vmem>>) target_semaphore(%run_scoped3A_492 : memref<!tpu.dma_semaphore, #tpu.memory_space<semaphore_mem>>)
          %dma_wait3A_505 = arith.constant 0 : i32
          %dma_wait3A_506 = arith.constant 0 : i32
          %dma_wait3A_507 = tpu.memref_slice %arg5[%run_scoped3A_423, %dma_wait3A_505, %dma_wait3A_506] : memref<2x2x200xi32, #tpu.memory_space<vmem>> -> memref<1x2x200xi32, #tpu.memory_space<vmem>>
          %dma_wait3A_508 = tpu.memref_squeeze %dma_wait3A_507 : memref<1x2x200xi32, #tpu.memory_space<vmem>> -> memref<2x200xi32, #tpu.memory_space<vmem>>
          %dma_wait3A_509 = arith.constant 0 : i32
          %dma_wait3A_510 = tpu.memref_slice %arg2[%add3A_422, %dma_wait3A_509] : memref<4096x200xi32, #tpu.memory_space<hbm>> -> memref<2x200xi32, #tpu.memory_space<hbm>>
          %dma_wait3A_511 = arith.constant 0 : i32
          %dma_wait3A_512 = arith.constant 0 : i32
          %dma_wait3A_513 = tpu.memref_slice %arg5[%run_scoped3A_423, %dma_wait3A_511, %dma_wait3A_512] : memref<2x2x200xi32, #tpu.memory_space<vmem>> -> memref<1x2x200xi32, #tpu.memory_space<vmem>>
          %dma_wait3A_514 = tpu.memref_squeeze %dma_wait3A_513 : memref<1x2x200xi32, #tpu.memory_space<vmem>> -> memref<2x200xi32, #tpu.memory_space<vmem>>
          %dma_wait3A_515 = arith.constant 0 : i32
          %dma_wait3A_516 = tpu.memref_slice %arg2[%add3A_422, %dma_wait3A_515] : memref<4096x200xi32, #tpu.memory_space<hbm>> -> memref<2x200xi32, #tpu.memory_space<hbm>>
          tpu.wait_dma2 semaphore(%run_scoped3A_492 : memref<!tpu.dma_semaphore, #tpu.memory_space<semaphore_mem>>) src(%dma_wait3A_516 : memref<2x200xi32, #tpu.memory_space<hbm>>) dst(%dma_wait3A_514 : memref<2x200xi32, #tpu.memory_space<vmem>>)
          tpu.yield
        }) : () -> ()
        %dma_start3A_424 = arith.constant 0 : i32
        %dma_start3A_425 = arith.constant 0 : i32
        %dma_start3A_426 = arith.constant 0 : i32
        %dma_start3A_427 = arith.constant 0 : i32
        %dma_start3A_428 = arith.constant 0 : i32
        %dma_start3A_429 = arith.constant 0 : i32
        %dma_start3A_430 = arith.constant 0 : i32
        %dma_start3A_431 = tpu.memref_slice %arg6[%dma_start3A_426, %dma_start3A_427, %dma_start3A_429, %dma_start3A_430] : memref<2x2x200x128xf32, #tpu.memory_space<vmem>> -> memref<1x1x128x128xf32, #tpu.memory_space<vmem>>
        %dma_start3A_432 = tpu.memref_squeeze %dma_start3A_431 : memref<1x1x128x128xf32, #tpu.memory_space<vmem>> -> memref<128x128xf32, #tpu.memory_space<vmem>>
        %dma_start3A_433 = arith.constant 0 : i32
        %dma_start3A_434 = tpu.memref_slice %arg5[%dma_start3A_424, %dma_start3A_425, %dma_start3A_433] : memref<2x2x200xi32, #tpu.memory_space<vmem>> -> memref<1x1x128xi32, #tpu.memory_space<vmem>>
        %dma_start3A_435 = tpu.memref_squeeze %dma_start3A_434 : memref<1x1x128xi32, #tpu.memory_space<vmem>> -> memref<128xi32, #tpu.memory_space<vmem>>
        %dma_start3A_436 = arith.constant 0 : i32
        %dma_start3A_437 = arith.constant 0 : i32
        %dma_start3A_438 = tpu.memref_slice %arg3[%dma_start3A_436, %dma_start3A_437] : memref<1000000x128xf32, #tpu.memory_space<hbm>> -> memref<1000000x128xf32, #tpu.memory_space<hbm>>
        %dma_start3A_439 = tpu.memref_slice %arg7[%dma_start3A_428] : memref<2x!tpu.dma_semaphore, #tpu.memory_space<semaphore_mem>> -> memref<1x!tpu.dma_semaphore, #tpu.memory_space<semaphore_mem>>
        %dma_start3A_440 = tpu.memref_squeeze %dma_start3A_439 : memref<1x!tpu.dma_semaphore, #tpu.memory_space<semaphore_mem>> -> memref<!tpu.dma_semaphore, #tpu.memory_space<semaphore_mem>>
        tpu.enqueue_indirect_dma source(%dma_start3A_438 : memref<1000000x128xf32, #tpu.memory_space<hbm>>) target(%dma_start3A_432 : memref<128x128xf32, #tpu.memory_space<vmem>>) offsets(%dma_start3A_435 : memref<128xi32, #tpu.memory_space<vmem>>) semaphore(%dma_start3A_440 : memref<!tpu.dma_semaphore, #tpu.memory_space<semaphore_mem>>)
        %dma_start3A_441 = arith.constant 0 : i32
        %dma_start3A_442 = arith.constant 0 : i32
        %dma_start3A_443 = arith.constant 0 : i32
        %dma_start3A_444 = arith.constant 0 : i32
        %dma_start3A_445 = arith.constant 0 : i32
        %dma_start3A_446 = arith.constant 128 : i32
        %dma_start3A_447 = arith.constant 0 : i32
        %dma_start3A_448 = tpu.memref_slice %arg6[%dma_start3A_443, %dma_start3A_444, %dma_start3A_446, %dma_start3A_447] : memref<2x2x200x128xf32, #tpu.memory_space<vmem>> -> memref<1x1x72x128xf32, #tpu.memory_space<vmem>>
        %dma_start3A_449 = tpu.memref_squeeze %dma_start3A_448 : memref<1x1x72x128xf32, #tpu.memory_space<vmem>> -> memref<72x128xf32, #tpu.memory_space<vmem>>
        %dma_start3A_450 = arith.constant 128 : i32
        %dma_start3A_451 = tpu.memref_slice %arg5[%dma_start3A_441, %dma_start3A_442, %dma_start3A_450] : memref<2x2x200xi32, #tpu.memory_space<vmem>> -> memref<1x1x72xi32, #tpu.memory_space<vmem>>
        %dma_start3A_452 = tpu.memref_squeeze %dma_start3A_451 : memref<1x1x72xi32, #tpu.memory_space<vmem>> -> memref<72xi32, #tpu.memory_space<vmem>>
        %dma_start3A_453 = arith.constant 0 : i32
        %dma_start3A_454 = arith.constant 0 : i32
        %dma_start3A_455 = tpu.memref_slice %arg3[%dma_start3A_453, %dma_start3A_454] : memref<1000000x128xf32, #tpu.memory_space<hbm>> -> memref<1000000x128xf32, #tpu.memory_space<hbm>>
        %dma_start3A_456 = tpu.memref_slice %arg7[%dma_start3A_445] : memref<2x!tpu.dma_semaphore, #tpu.memory_space<semaphore_mem>> -> memref<1x!tpu.dma_semaphore, #tpu.memory_space<semaphore_mem>>
        %dma_start3A_457 = tpu.memref_squeeze %dma_start3A_456 : memref<1x!tpu.dma_semaphore, #tpu.memory_space<semaphore_mem>> -> memref<!tpu.dma_semaphore, #tpu.memory_space<semaphore_mem>>
        tpu.enqueue_indirect_dma source(%dma_start3A_455 : memref<1000000x128xf32, #tpu.memory_space<hbm>>) target(%dma_start3A_449 : memref<72x128xf32, #tpu.memory_space<vmem>>) offsets(%dma_start3A_452 : memref<72xi32, #tpu.memory_space<vmem>>) semaphore(%dma_start3A_457 : memref<!tpu.dma_semaphore, #tpu.memory_space<semaphore_mem>>)
        %dma_start3A_458 = arith.constant 0 : i32
        %dma_start3A_459 = arith.constant 1 : i32
        %dma_start3A_460 = arith.constant 0 : i32
        %dma_start3A_461 = arith.constant 1 : i32
        %dma_start3A_462 = arith.constant 0 : i32
        %dma_start3A_463 = arith.constant 0 : i32
        %dma_start3A_464 = arith.constant 0 : i32
        %dma_start3A_465 = tpu.memref_slice %arg6[%dma_start3A_460, %dma_start3A_461, %dma_start3A_463, %dma_start3A_464] : memref<2x2x200x128xf32, #tpu.memory_space<vmem>> -> memref<1x1x128x128xf32, #tpu.memory_space<vmem>>
        %dma_start3A_466 = tpu.memref_squeeze %dma_start3A_465 : memref<1x1x128x128xf32, #tpu.memory_space<vmem>> -> memref<128x128xf32, #tpu.memory_space<vmem>>
        %dma_start3A_467 = arith.constant 0 : i32
        %dma_start3A_468 = tpu.memref_slice %arg5[%dma_start3A_458, %dma_start3A_459, %dma_start3A_467] : memref<2x2x200xi32, #tpu.memory_space<vmem>> -> memref<1x1x128xi32, #tpu.memory_space<vmem>>
        %dma_start3A_469 = tpu.memref_squeeze %dma_start3A_468 : memref<1x1x128xi32, #tpu.memory_space<vmem>> -> memref<128xi32, #tpu.memory_space<vmem>>
        %dma_start3A_470 = arith.constant 0 : i32
        %dma_start3A_471 = arith.constant 0 : i32
        %dma_start3A_472 = tpu.memref_slice %arg3[%dma_start3A_470, %dma_start3A_471] : memref<1000000x128xf32, #tpu.memory_space<hbm>> -> memref<1000000x128xf32, #tpu.memory_space<hbm>>
        %dma_start3A_473 = tpu.memref_slice %arg7[%dma_start3A_462] : memref<2x!tpu.dma_semaphore, #tpu.memory_space<semaphore_mem>> -> memref<1x!tpu.dma_semaphore, #tpu.memory_space<semaphore_mem>>
        %dma_start3A_474 = tpu.memref_squeeze %dma_start3A_473 : memref<1x!tpu.dma_semaphore, #tpu.memory_space<semaphore_mem>> -> memref<!tpu.dma_semaphore, #tpu.memory_space<semaphore_mem>>
        tpu.enqueue_indirect_dma source(%dma_start3A_472 : memref<1000000x128xf32, #tpu.memory_space<hbm>>) target(%dma_start3A_466 : memref<128x128xf32, #tpu.memory_space<vmem>>) offsets(%dma_start3A_469 : memref<128xi32, #tpu.memory_space<vmem>>) semaphore(%dma_start3A_474 : memref<!tpu.dma_semaphore, #tpu.memory_space<semaphore_mem>>)
        %dma_start3A_475 = arith.constant 0 : i32
        %dma_start3A_476 = arith.constant 1 : i32
        %dma_start3A_477 = arith.constant 0 : i32
        %dma_start3A_478 = arith.constant 1 : i32
        %dma_start3A_479 = arith.constant 0 : i32
        %dma_start3A_480 = arith.constant 128 : i32
        %dma_start3A_481 = arith.constant 0 : i32
        %dma_start3A_482 = tpu.memref_slice %arg6[%dma_start3A_477, %dma_start3A_478, %dma_start3A_480, %dma_start3A_481] : memref<2x2x200x128xf32, #tpu.memory_space<vmem>> -> memref<1x1x72x128xf32, #tpu.memory_space<vmem>>
        %dma_start3A_483 = tpu.memref_squeeze %dma_start3A_482 : memref<1x1x72x128xf32, #tpu.memory_space<vmem>> -> memref<72x128xf32, #tpu.memory_space<vmem>>
        %dma_start3A_484 = arith.constant 128 : i32
        %dma_start3A_485 = tpu.memref_slice %arg5[%dma_start3A_475, %dma_start3A_476, %dma_start3A_484] : memref<2x2x200xi32, #tpu.memory_space<vmem>> -> memref<1x1x72xi32, #tpu.memory_space<vmem>>
        %dma_start3A_486 = tpu.memref_squeeze %dma_start3A_485 : memref<1x1x72xi32, #tpu.memory_space<vmem>> -> memref<72xi32, #tpu.memory_space<vmem>>
        %dma_start3A_487 = arith.constant 0 : i32
        %dma_start3A_488 = arith.constant 0 : i32
        %dma_start3A_489 = tpu.memref_slice %arg3[%dma_start3A_487, %dma_start3A_488] : memref<1000000x128xf32, #tpu.memory_space<hbm>> -> memref<1000000x128xf32, #tpu.memory_space<hbm>>
        %dma_start3A_490 = tpu.memref_slice %arg7[%dma_start3A_479] : memref<2x!tpu.dma_semaphore, #tpu.memory_space<semaphore_mem>> -> memref<1x!tpu.dma_semaphore, #tpu.memory_space<semaphore_mem>>
        %dma_start3A_491 = tpu.memref_squeeze %dma_start3A_490 : memref<1x!tpu.dma_semaphore, #tpu.memory_space<semaphore_mem>> -> memref<!tpu.dma_semaphore, #tpu.memory_space<semaphore_mem>>
        tpu.enqueue_indirect_dma source(%dma_start3A_489 : memref<1000000x128xf32, #tpu.memory_space<hbm>>) target(%dma_start3A_483 : memref<72x128xf32, #tpu.memory_space<vmem>>) offsets(%dma_start3A_486 : memref<72xi32, #tpu.memory_space<vmem>>) semaphore(%dma_start3A_491 : memref<!tpu.dma_semaphore, #tpu.memory_space<semaphore_mem>>)
      } else {
      }
      %add3A_294 = arith.constant 1 : i32
      %add3A_295 = arith.addi %mul3A_124, %add3A_294 : i32
      %mul3A_296 = arith.constant 2 : i32
      %mul3A_297 = arith.muli %add3A_295, %mul3A_296 : i32
      %add3A_298 = arith.addi %mul3A_2, %mul3A_297 : i32
      %dma_wait3A_299 = arith.constant 1 : i32
      %dma_wait3A_300 = arith.constant 0 : i32
      %dma_wait3A_301 = arith.constant 1 : i32
      %dma_wait3A_302 = arith.constant 0 : i32
      %dma_wait3A_303 = arith.constant 1 : i32
      %dma_wait3A_304 = arith.constant 0 : i32
      %dma_wait3A_305 = arith.constant 0 : i32
      %dma_wait3A_306 = tpu.memref_slice %arg6[%dma_wait3A_301, %dma_wait3A_302, %dma_wait3A_304, %dma_wait3A_305] : memref<2x2x200x128xf32, #tpu.memory_space<vmem>> -> memref<1x1x128x128xf32, #tpu.memory_space<vmem>>
      %dma_wait3A_307 = tpu.memref_squeeze %dma_wait3A_306 : memref<1x1x128x128xf32, #tpu.memory_space<vmem>> -> memref<128x128xf32, #tpu.memory_space<vmem>>
      %dma_wait3A_308 = arith.constant 0 : i32
      %dma_wait3A_309 = tpu.memref_slice %arg5[%dma_wait3A_299, %dma_wait3A_300, %dma_wait3A_308] : memref<2x2x200xi32, #tpu.memory_space<vmem>> -> memref<1x1x128xi32, #tpu.memory_space<vmem>>
      %dma_wait3A_310 = tpu.memref_squeeze %dma_wait3A_309 : memref<1x1x128xi32, #tpu.memory_space<vmem>> -> memref<128xi32, #tpu.memory_space<vmem>>
      %dma_wait3A_311 = arith.constant 0 : i32
      %dma_wait3A_312 = arith.constant 0 : i32
      %dma_wait3A_313 = tpu.memref_slice %arg3[%dma_wait3A_311, %dma_wait3A_312] : memref<1000000x128xf32, #tpu.memory_space<hbm>> -> memref<1000000x128xf32, #tpu.memory_space<hbm>>
      %dma_wait3A_314 = tpu.memref_slice %arg7[%dma_wait3A_303] : memref<2x!tpu.dma_semaphore, #tpu.memory_space<semaphore_mem>> -> memref<1x!tpu.dma_semaphore, #tpu.memory_space<semaphore_mem>>
      %dma_wait3A_315 = tpu.memref_squeeze %dma_wait3A_314 : memref<1x!tpu.dma_semaphore, #tpu.memory_space<semaphore_mem>> -> memref<!tpu.dma_semaphore, #tpu.memory_space<semaphore_mem>>
      tpu.wait_indirect_dma semaphore(%dma_wait3A_315 : memref<!tpu.dma_semaphore, #tpu.memory_space<semaphore_mem>>) src(%dma_wait3A_313 : memref<1000000x128xf32, #tpu.memory_space<hbm>>) dst(%dma_wait3A_307 : memref<128x128xf32, #tpu.memory_space<vmem>>)
      %dma_wait3A_316 = arith.constant 1 : i32
      %dma_wait3A_317 = arith.constant 0 : i32
      %dma_wait3A_318 = arith.constant 1 : i32
      %dma_wait3A_319 = arith.constant 0 : i32
      %dma_wait3A_320 = arith.constant 1 : i32
      %dma_wait3A_321 = arith.constant 128 : i32
      %dma_wait3A_322 = arith.constant 0 : i32
      %dma_wait3A_323 = tpu.memref_slice %arg6[%dma_wait3A_318, %dma_wait3A_319, %dma_wait3A_321, %dma_wait3A_322] : memref<2x2x200x128xf32, #tpu.memory_space<vmem>> -> memref<1x1x72x128xf32, #tpu.memory_space<vmem>>
      %dma_wait3A_324 = tpu.memref_squeeze %dma_wait3A_323 : memref<1x1x72x128xf32, #tpu.memory_space<vmem>> -> memref<72x128xf32, #tpu.memory_space<vmem>>
      %dma_wait3A_325 = arith.constant 128 : i32
      %dma_wait3A_326 = tpu.memref_slice %arg5[%dma_wait3A_316, %dma_wait3A_317, %dma_wait3A_325] : memref<2x2x200xi32, #tpu.memory_space<vmem>> -> memref<1x1x72xi32, #tpu.memory_space<vmem>>
      %dma_wait3A_327 = tpu.memref_squeeze %dma_wait3A_326 : memref<1x1x72xi32, #tpu.memory_space<vmem>> -> memref<72xi32, #tpu.memory_space<vmem>>
      %dma_wait3A_328 = arith.constant 0 : i32
      %dma_wait3A_329 = arith.constant 0 : i32
      %dma_wait3A_330 = tpu.memref_slice %arg3[%dma_wait3A_328, %dma_wait3A_329] : memref<1000000x128xf32, #tpu.memory_space<hbm>> -> memref<1000000x128xf32, #tpu.memory_space<hbm>>
      %dma_wait3A_331 = tpu.memref_slice %arg7[%dma_wait3A_320] : memref<2x!tpu.dma_semaphore, #tpu.memory_space<semaphore_mem>> -> memref<1x!tpu.dma_semaphore, #tpu.memory_space<semaphore_mem>>
      %dma_wait3A_332 = tpu.memref_squeeze %dma_wait3A_331 : memref<1x!tpu.dma_semaphore, #tpu.memory_space<semaphore_mem>> -> memref<!tpu.dma_semaphore, #tpu.memory_space<semaphore_mem>>
      tpu.wait_indirect_dma semaphore(%dma_wait3A_332 : memref<!tpu.dma_semaphore, #tpu.memory_space<semaphore_mem>>) src(%dma_wait3A_330 : memref<1000000x128xf32, #tpu.memory_space<hbm>>) dst(%dma_wait3A_324 : memref<72x128xf32, #tpu.memory_space<vmem>>)
      %dma_wait3A_333 = arith.constant 1 : i32
      %dma_wait3A_334 = arith.constant 1 : i32
      %dma_wait3A_335 = arith.constant 1 : i32
      %dma_wait3A_336 = arith.constant 1 : i32
      %dma_wait3A_337 = arith.constant 1 : i32
      %dma_wait3A_338 = arith.constant 0 : i32
      %dma_wait3A_339 = arith.constant 0 : i32
      %dma_wait3A_340 = tpu.memref_slice %arg6[%dma_wait3A_335, %dma_wait3A_336, %dma_wait3A_338, %dma_wait3A_339] : memref<2x2x200x128xf32, #tpu.memory_space<vmem>> -> memref<1x1x128x128xf32, #tpu.memory_space<vmem>>
      %dma_wait3A_341 = tpu.memref_squeeze %dma_wait3A_340 : memref<1x1x128x128xf32, #tpu.memory_space<vmem>> -> memref<128x128xf32, #tpu.memory_space<vmem>>
      %dma_wait3A_342 = arith.constant 0 : i32
      %dma_wait3A_343 = tpu.memref_slice %arg5[%dma_wait3A_333, %dma_wait3A_334, %dma_wait3A_342] : memref<2x2x200xi32, #tpu.memory_space<vmem>> -> memref<1x1x128xi32, #tpu.memory_space<vmem>>
      %dma_wait3A_344 = tpu.memref_squeeze %dma_wait3A_343 : memref<1x1x128xi32, #tpu.memory_space<vmem>> -> memref<128xi32, #tpu.memory_space<vmem>>
      %dma_wait3A_345 = arith.constant 0 : i32
      %dma_wait3A_346 = arith.constant 0 : i32
      %dma_wait3A_347 = tpu.memref_slice %arg3[%dma_wait3A_345, %dma_wait3A_346] : memref<1000000x128xf32, #tpu.memory_space<hbm>> -> memref<1000000x128xf32, #tpu.memory_space<hbm>>
      %dma_wait3A_348 = tpu.memref_slice %arg7[%dma_wait3A_337] : memref<2x!tpu.dma_semaphore, #tpu.memory_space<semaphore_mem>> -> memref<1x!tpu.dma_semaphore, #tpu.memory_space<semaphore_mem>>
      %dma_wait3A_349 = tpu.memref_squeeze %dma_wait3A_348 : memref<1x!tpu.dma_semaphore, #tpu.memory_space<semaphore_mem>> -> memref<!tpu.dma_semaphore, #tpu.memory_space<semaphore_mem>>
      tpu.wait_indirect_dma semaphore(%dma_wait3A_349 : memref<!tpu.dma_semaphore, #tpu.memory_space<semaphore_mem>>) src(%dma_wait3A_347 : memref<1000000x128xf32, #tpu.memory_space<hbm>>) dst(%dma_wait3A_341 : memref<128x128xf32, #tpu.memory_space<vmem>>)
      %dma_wait3A_350 = arith.constant 1 : i32
      %dma_wait3A_351 = arith.constant 1 : i32
      %dma_wait3A_352 = arith.constant 1 : i32
      %dma_wait3A_353 = arith.constant 1 : i32
      %dma_wait3A_354 = arith.constant 1 : i32
      %dma_wait3A_355 = arith.constant 128 : i32
      %dma_wait3A_356 = arith.constant 0 : i32
      %dma_wait3A_357 = tpu.memref_slice %arg6[%dma_wait3A_352, %dma_wait3A_353, %dma_wait3A_355, %dma_wait3A_356] : memref<2x2x200x128xf32, #tpu.memory_space<vmem>> -> memref<1x1x72x128xf32, #tpu.memory_space<vmem>>
      %dma_wait3A_358 = tpu.memref_squeeze %dma_wait3A_357 : memref<1x1x72x128xf32, #tpu.memory_space<vmem>> -> memref<72x128xf32, #tpu.memory_space<vmem>>
      %dma_wait3A_359 = arith.constant 128 : i32
      %dma_wait3A_360 = tpu.memref_slice %arg5[%dma_wait3A_350, %dma_wait3A_351, %dma_wait3A_359] : memref<2x2x200xi32, #tpu.memory_space<vmem>> -> memref<1x1x72xi32, #tpu.memory_space<vmem>>
      %dma_wait3A_361 = tpu.memref_squeeze %dma_wait3A_360 : memref<1x1x72xi32, #tpu.memory_space<vmem>> -> memref<72xi32, #tpu.memory_space<vmem>>
      %dma_wait3A_362 = arith.constant 0 : i32
      %dma_wait3A_363 = arith.constant 0 : i32
      %dma_wait3A_364 = tpu.memref_slice %arg3[%dma_wait3A_362, %dma_wait3A_363] : memref<1000000x128xf32, #tpu.memory_space<hbm>> -> memref<1000000x128xf32, #tpu.memory_space<hbm>>
      %dma_wait3A_365 = tpu.memref_slice %arg7[%dma_wait3A_354] : memref<2x!tpu.dma_semaphore, #tpu.memory_space<semaphore_mem>> -> memref<1x!tpu.dma_semaphore, #tpu.memory_space<semaphore_mem>>
      %dma_wait3A_366 = tpu.memref_squeeze %dma_wait3A_365 : memref<1x!tpu.dma_semaphore, #tpu.memory_space<semaphore_mem>> -> memref<!tpu.dma_semaphore, #tpu.memory_space<semaphore_mem>>
      tpu.wait_indirect_dma semaphore(%dma_wait3A_366 : memref<!tpu.dma_semaphore, #tpu.memory_space<semaphore_mem>>) src(%dma_wait3A_364 : memref<1000000x128xf32, #tpu.memory_space<hbm>>) dst(%dma_wait3A_358 : memref<72x128xf32, #tpu.memory_space<vmem>>)
      %dma_start3A_367 = arith.constant 1 : i32
      %dma_start3A_368 = arith.constant 1 : i32
      %dma_start3A_369 = arith.constant 0 : i32
      %dma_start3A_370 = arith.constant 0 : i32
      %dma_start3A_371 = arith.constant 0 : i32
      %dma_start3A_372 = tpu.memref_slice %arg6[%dma_start3A_367, %dma_start3A_369, %dma_start3A_370, %dma_start3A_371] : memref<2x2x200x128xf32, #tpu.memory_space<vmem>> -> memref<1x2x200x64xf32, #tpu.memory_space<vmem>>
      %dma_start3A_373 = tpu.memref_squeeze %dma_start3A_372 : memref<1x2x200x64xf32, #tpu.memory_space<vmem>> -> memref<2x200x64xf32, #tpu.memory_space<vmem>>
      %dma_start3A_374 = arith.constant 0 : i32
      %dma_start3A_375 = arith.constant 0 : i32
      %dma_start3A_376 = tpu.memref_slice %arg4[%add3A_298, %dma_start3A_374, %dma_start3A_375] : memref<4096x200x128xf32, #tpu.memory_space<hbm>> -> memref<2x200x64xf32, #tpu.memory_space<hbm>>
      %dma_start3A_377 = tpu.memref_slice %arg8[%dma_start3A_368] : memref<2x!tpu.dma_semaphore, #tpu.memory_space<semaphore_mem>> -> memref<1x!tpu.dma_semaphore, #tpu.memory_space<semaphore_mem>>
      %dma_start3A_378 = tpu.memref_squeeze %dma_start3A_377 : memref<1x!tpu.dma_semaphore, #tpu.memory_space<semaphore_mem>> -> memref<!tpu.dma_semaphore, #tpu.memory_space<semaphore_mem>>
      %dma_start3A_379 = arith.constant 0 : i32
      %dma_start3A_380 = arith.constant 0 : i32
      %dma_start3A_381 = tpu.memref_slice %arg4[%add3A_298, %dma_start3A_379, %dma_start3A_380] : memref<4096x200x128xf32, #tpu.memory_space<hbm>> -> memref<2x200x64xf32, #tpu.memory_space<hbm>>
      %dma_start3A_382 = arith.constant 0 : i32
      %dma_start3A_383 = arith.constant 0 : i32
      %dma_start3A_384 = arith.constant 0 : i32
      %dma_start3A_385 = tpu.memref_slice %arg6[%dma_start3A_367, %dma_start3A_382, %dma_start3A_383, %dma_start3A_384] : memref<2x2x200x128xf32, #tpu.memory_space<vmem>> -> memref<1x2x200x64xf32, #tpu.memory_space<vmem>>
      %dma_start3A_386 = tpu.memref_squeeze %dma_start3A_385 : memref<1x2x200x64xf32, #tpu.memory_space<vmem>> -> memref<2x200x64xf32, #tpu.memory_space<vmem>>
      tpu.enqueue_dma source(%dma_start3A_386 : memref<2x200x64xf32, #tpu.memory_space<vmem>>) target(%dma_start3A_381 : memref<2x200x64xf32, #tpu.memory_space<hbm>>) target_semaphore(%dma_start3A_378 : memref<!tpu.dma_semaphore, #tpu.memory_space<semaphore_mem>>)
      %add3A_387 = arith.constant 1 : i32
      %add3A_388 = arith.addi %scan3A_121, %add3A_387 : i32
      %lt3A_389 = arith.constant 32 : i32
      %lt3A_390 = arith.cmpi slt, %add3A_388, %lt3A_389 : i32
      %convert_element_type3A_391 = arith.extui %lt3A_390 : i1 to i32
      %cond3A_392 = arith.constant 0 : i32
      %cond3A_393 = arith.cmpi ne, %convert_element_type3A_391, %cond3A_392 : i32
      scf.if %cond3A_393 {
        %add3A_395 = arith.constant 1 : i32
        %add3A_396 = arith.addi %mul3A_124, %add3A_395 : i32
        %mul3A_397 = arith.constant 2 : i32
        %mul3A_398 = arith.muli %add3A_396, %mul3A_397 : i32
        %add3A_399 = arith.addi %mul3A_2, %mul3A_398 : i32
        %dma_wait3A_400 = arith.constant 1 : i32
        %dma_wait3A_401 = arith.constant 1 : i32
        %dma_wait3A_402 = arith.constant 0 : i32
        %dma_wait3A_403 = arith.constant 0 : i32
        %dma_wait3A_404 = arith.constant 0 : i32
        %dma_wait3A_405 = tpu.memref_slice %arg6[%dma_wait3A_400, %dma_wait3A_402, %dma_wait3A_403, %dma_wait3A_404] : memref<2x2x200x128xf32, #tpu.memory_space<vmem>> -> memref<1x2x200x64xf32, #tpu.memory_space<vmem>>
        %dma_wait3A_406 = tpu.memref_squeeze %dma_wait3A_405 : memref<1x2x200x64xf32, #tpu.memory_space<vmem>> -> memref<2x200x64xf32, #tpu.memory_space<vmem>>
        %dma_wait3A_407 = arith.constant 0 : i32
        %dma_wait3A_408 = arith.constant 0 : i32
        %dma_wait3A_409 = tpu.memref_slice %arg4[%add3A_399, %dma_wait3A_407, %dma_wait3A_408] : memref<4096x200x128xf32, #tpu.memory_space<hbm>> -> memref<2x200x64xf32, #tpu.memory_space<hbm>>
        %dma_wait3A_410 = tpu.memref_slice %arg8[%dma_wait3A_401] : memref<2x!tpu.dma_semaphore, #tpu.memory_space<semaphore_mem>> -> memref<1x!tpu.dma_semaphore, #tpu.memory_space<semaphore_mem>>
        %dma_wait3A_411 = tpu.memref_squeeze %dma_wait3A_410 : memref<1x!tpu.dma_semaphore, #tpu.memory_space<semaphore_mem>> -> memref<!tpu.dma_semaphore, #tpu.memory_space<semaphore_mem>>
        %dma_wait3A_412 = arith.constant 0 : i32
        %dma_wait3A_413 = arith.constant 0 : i32
        %dma_wait3A_414 = tpu.memref_slice %arg4[%add3A_399, %dma_wait3A_412, %dma_wait3A_413] : memref<4096x200x128xf32, #tpu.memory_space<hbm>> -> memref<2x200x64xf32, #tpu.memory_space<hbm>>
        %dma_wait3A_415 = arith.constant 0 : i32
        %dma_wait3A_416 = arith.constant 0 : i32
        %dma_wait3A_417 = arith.constant 0 : i32
        %dma_wait3A_418 = tpu.memref_slice %arg6[%dma_wait3A_400, %dma_wait3A_415, %dma_wait3A_416, %dma_wait3A_417] : memref<2x2x200x128xf32, #tpu.memory_space<vmem>> -> memref<1x2x200x64xf32, #tpu.memory_space<vmem>>
        %dma_wait3A_419 = tpu.memref_squeeze %dma_wait3A_418 : memref<1x2x200x64xf32, #tpu.memory_space<vmem>> -> memref<2x200x64xf32, #tpu.memory_space<vmem>>
        tpu.wait_dma2 semaphore(%dma_wait3A_411 : memref<!tpu.dma_semaphore, #tpu.memory_space<semaphore_mem>>) src(%dma_wait3A_419 : memref<2x200x64xf32, #tpu.memory_space<vmem>>) dst(%dma_wait3A_414 : memref<2x200x64xf32, #tpu.memory_space<hbm>>)
      } else {
      }
      %scan3A_394 = arith.constant 0 : i32
      scf.yield %scan3A_394 : i32
    }
    %scan3A_77 = arith.constant 32 : i32
    %add3A_78 = arith.constant 124 : i32
    %add3A_79 = arith.addi %mul3A_2, %add3A_78 : i32
    %dma_wait3A = arith.constant 0 : i32
    %dma_wait3A_80 = arith.constant 0 : i32
    %dma_wait3A_81 = arith.constant 0 : i32
    %dma_wait3A_82 = arith.constant 0 : i32
    %dma_wait3A_83 = arith.constant 0 : i32
    %dma_wait3A_84 = tpu.memref_slice %arg6[%dma_wait3A, %dma_wait3A_81, %dma_wait3A_82, %dma_wait3A_83] : memref<2x2x200x128xf32, #tpu.memory_space<vmem>> -> memref<1x2x200x64xf32, #tpu.memory_space<vmem>>
    %dma_wait3A_85 = tpu.memref_squeeze %dma_wait3A_84 : memref<1x2x200x64xf32, #tpu.memory_space<vmem>> -> memref<2x200x64xf32, #tpu.memory_space<vmem>>
    %dma_wait3A_86 = arith.constant 0 : i32
    %dma_wait3A_87 = arith.constant 0 : i32
    %dma_wait3A_88 = tpu.memref_slice %arg4[%add3A_79, %dma_wait3A_86, %dma_wait3A_87] : memref<4096x200x128xf32, #tpu.memory_space<hbm>> -> memref<2x200x64xf32, #tpu.memory_space<hbm>>
    %dma_wait3A_89 = tpu.memref_slice %arg8[%dma_wait3A_80] : memref<2x!tpu.dma_semaphore, #tpu.memory_space<semaphore_mem>> -> memref<1x!tpu.dma_semaphore, #tpu.memory_space<semaphore_mem>>
    %dma_wait3A_90 = tpu.memref_squeeze %dma_wait3A_89 : memref<1x!tpu.dma_semaphore, #tpu.memory_space<semaphore_mem>> -> memref<!tpu.dma_semaphore, #tpu.memory_space<semaphore_mem>>
    %dma_wait3A_91 = arith.constant 0 : i32
    %dma_wait3A_92 = arith.constant 0 : i32
    %dma_wait3A_93 = tpu.memref_slice %arg4[%add3A_79, %dma_wait3A_91, %dma_wait3A_92] : memref<4096x200x128xf32, #tpu.memory_space<hbm>> -> memref<2x200x64xf32, #tpu.memory_space<hbm>>
    %dma_wait3A_94 = arith.constant 0 : i32
    %dma_wait3A_95 = arith.constant 0 : i32
    %dma_wait3A_96 = arith.constant 0 : i32
    %dma_wait3A_97 = tpu.memref_slice %arg6[%dma_wait3A, %dma_wait3A_94, %dma_wait3A_95, %dma_wait3A_96] : memref<2x2x200x128xf32, #tpu.memory_space<vmem>> -> memref<1x2x200x64xf32, #tpu.memory_space<vmem>>
    %dma_wait3A_98 = tpu.memref_squeeze %dma_wait3A_97 : memref<1x2x200x64xf32, #tpu.memory_space<vmem>> -> memref<2x200x64xf32, #tpu.memory_space<vmem>>
    tpu.wait_dma2 semaphore(%dma_wait3A_90 : memref<!tpu.dma_semaphore, #tpu.memory_space<semaphore_mem>>) src(%dma_wait3A_98 : memref<2x200x64xf32, #tpu.memory_space<vmem>>) dst(%dma_wait3A_93 : memref<2x200x64xf32, #tpu.memory_space<hbm>>)
    %add3A_99 = arith.constant 126 : i32
    %add3A_100 = arith.addi %mul3A_2, %add3A_99 : i32
    %dma_wait3A_101 = arith.constant 1 : i32
    %dma_wait3A_102 = arith.constant 1 : i32
    %dma_wait3A_103 = arith.constant 0 : i32
    %dma_wait3A_104 = arith.constant 0 : i32
    %dma_wait3A_105 = arith.constant 0 : i32
    %dma_wait3A_106 = tpu.memref_slice %arg6[%dma_wait3A_101, %dma_wait3A_103, %dma_wait3A_104, %dma_wait3A_105] : memref<2x2x200x128xf32, #tpu.memory_space<vmem>> -> memref<1x2x200x64xf32, #tpu.memory_space<vmem>>
    %dma_wait3A_107 = tpu.memref_squeeze %dma_wait3A_106 : memref<1x2x200x64xf32, #tpu.memory_space<vmem>> -> memref<2x200x64xf32, #tpu.memory_space<vmem>>
    %dma_wait3A_108 = arith.constant 0 : i32
    %dma_wait3A_109 = arith.constant 0 : i32
    %dma_wait3A_110 = tpu.memref_slice %arg4[%add3A_100, %dma_wait3A_108, %dma_wait3A_109] : memref<4096x200x128xf32, #tpu.memory_space<hbm>> -> memref<2x200x64xf32, #tpu.memory_space<hbm>>
    %dma_wait3A_111 = tpu.memref_slice %arg8[%dma_wait3A_102] : memref<2x!tpu.dma_semaphore, #tpu.memory_space<semaphore_mem>> -> memref<1x!tpu.dma_semaphore, #tpu.memory_space<semaphore_mem>>
    %dma_wait3A_112 = tpu.memref_squeeze %dma_wait3A_111 : memref<1x!tpu.dma_semaphore, #tpu.memory_space<semaphore_mem>> -> memref<!tpu.dma_semaphore, #tpu.memory_space<semaphore_mem>>
    %dma_wait3A_113 = arith.constant 0 : i32
    %dma_wait3A_114 = arith.constant 0 : i32
    %dma_wait3A_115 = tpu.memref_slice %arg4[%add3A_100, %dma_wait3A_113, %dma_wait3A_114] : memref<4096x200x128xf32, #tpu.memory_space<hbm>> -> memref<2x200x64xf32, #tpu.memory_space<hbm>>
    %dma_wait3A_116 = arith.constant 0 : i32
    %dma_wait3A_117 = arith.constant 0 : i32
    %dma_wait3A_118 = arith.constant 0 : i32
    %dma_wait3A_119 = tpu.memref_slice %arg6[%dma_wait3A_101, %dma_wait3A_116, %dma_wait3A_117, %dma_wait3A_118] : memref<2x2x200x128xf32, #tpu.memory_space<vmem>> -> memref<1x2x200x64xf32, #tpu.memory_space<vmem>>
    %dma_wait3A_120 = tpu.memref_squeeze %dma_wait3A_119 : memref<1x2x200x64xf32, #tpu.memory_space<vmem>> -> memref<2x200x64xf32, #tpu.memory_space<vmem>>
    tpu.wait_dma2 semaphore(%dma_wait3A_112 : memref<!tpu.dma_semaphore, #tpu.memory_space<semaphore_mem>>) src(%dma_wait3A_120 : memref<2x200x64xf32, #tpu.memory_space<vmem>>) dst(%dma_wait3A_115 : memref<2x200x64xf32, #tpu.memory_space<hbm>>)
    return
  }
}

</mosaic_0001>

<sc_bundles>
// kernel: kernel.3.cloned.1.call-start
scs
__scs_entry_jumppad:
0x0: {  	(pc) =	sbr.rel $0x88, $3  }
0x1: {  	(tag) =	ssettag $0x0;
	lr =	simm.s32 $0x1  }
0x2: {  	[smem:$0x3F9F] =	sst lr;
	_ =	strace $0xD0000000  }
0x3: {  	_ = 	snop  }
0x4: {  	_ = 	snop  }
0x5: {  	_ = 	snop  }
0x6: {  	_ = 	snop  }
0x7: {  	_ = 	snop  }
__scs_overlays_trampoline_lowered:
0x8: {  	[smem:$0x3FAE] =	sst s0  }
0x9: {  	[smem:$0x3FAF] =	sst s1  }
0xa: {  	[smem:$0x3FB0] =	sst s2  }
0xb: {  	[smem:$0x3FB1] =	sst s3  }
0xc: {  	[smem:$0x3FB2] =	sst s4  }
0xd: {  	[smem:$0x3FB3] =	sst s5  }
0xe: {  	[smem:$0x3FB4] =	sst s6  }
0xf: {  	[smem:$0x3FB5] =	sst s7  }
0x10: {  	[smem:$0x3FB6] =	sst s8  }
0x11: {  	[smem:$0x3FB7] =	sst s9;
	s0 =	simm.s32 @!p0 $0x0  }
0x12: {  	s1 =	sld [smem:$0x3F9D];
	s0 =	simm.s32 @p0 $0x1  }
0x13: {  	[smem:$0x3FB8] =	sst s0;
	s0 =	simm.s32 @!p1 $0x0  }
0x14: {  	s2 =	sld [smem:$0x3F9C];
	s0 =	simm.s32 @p1 $0x1  }
0x15: {  	[smem:$0x3FB9] =	sst s0;
	s0 =	simm.s32 @!p2 $0x0  }
0x16: {  	s3 =	sld [smem:$0x3FDB];
	s0 =	simm.s32 @p2 $0x1  }
0x17: {  	s4 =	simm.s32 $0x1BF5;
	[smem:$0x3FBB] =	sst s0  }
0x18: {  	s0 =	sld [smem:$0x3F9E];
	_ =	swait.ge [sflag:s4], $0x0  }
0x19: {  	s7 =	sld [smem:$0x3F9F]  }
0x1a: {  	s8 =	sadd.s32 $0xFFFFE003, lr  }
0x1b: {  	s9 =	sadd.s32 $0xFFFFFEF7, lr;
	s5 =	simm.s32 $0xFFFFFFFF;
	p2 =	slt.u32 s8, $0xFFFFF086  }
0x1c: {  	p1 =	slt.u32 s9, $0xF7A;
	s5 =	simm.s32 @!p2 $0x0  }
0x1d: {  	s5 =	simm.s32 @p1 $0x1;
	p0 =	seq.s32 s7, s2  }
0x1e: {  	s7 =	smul.u32 @!p0 $0xF7A, s2;
	p2 =	seq.s32 @!p0 s5, $0x0  }
0x1f: {  	s9 =	smul.u32 $0xF7A, s1;
	s8 =	simm.s32 @!p0 $0x1BF5;
	p2 =	por !p2, p0  }
0x20: {  	[sflag:s8] =	ssyncset.s32 @!p0 $0xFFFFF086;
	s6 =	sadd.s32 @!p0 s3, s7;
	s7 =	simm.s32 @!p0 $0x108  }
0x21: {  	s3 =	sadd.s32 s3, s9;
	s6 =	sadd.s32 @!p0 $0x88, s6;
	s7 =	simm.s32 @p2 $0x1082  }
0x22: {  	[simem:s7], [sflag:s8] =	dma.local @!p0 [hbm:s6], $0xF7A  }
0x23: {  	s9 =	sor.u32 $0xD0000000, s2;
	s6 =	simm.s32 $0x108;
	_ =	swait.ge @!p0 [sflag:s8], $0x0  }
0x24: {  	s3 =	sadd.s32 $0x88, s3;
	s6 =	simm.s32 @!p1 $0x1082;
	[sflag:s4] =	ssyncset.s32 $0xFFFFF086  }
0x25: {  	[simem:s6], [sflag:s4] =	dma.local [hbm:s3], $0xF7A  }
0x26: {  	[smem:$0x3F9F] =	sst s1;
	(tag) =	ssettag s2;
	_ =	strace s9  }
0x27: {  	s1 =	sld [smem:$0x3FAF]  }
0x28: {  	s2 =	sld [smem:$0x3FB0]  }
0x29: {  	s4 =	sld [smem:$0x3FB2]  }
0x2a: {  	p0 =	seq.s32 s5, $0x0;
	s5 =	sld [smem:$0x3FB3]  }
0x2b: {  	s6 =	sld [smem:$0x3FB4]  }
0x2c: {  	s7 =	sld [smem:$0x3FB5]  }
0x2d: {  	s3 =	simm.s32 $0x108;
	s8 =	sld [smem:$0x3FB6]  }
0x2e: {  	s3 =	simm.s32 @!p0 $0x1082;
	s9 =	sld [smem:$0x3FB7]  }
0x2f: {  	lr =	sadd.s32 s0, s3;
	s0 =	sld [smem:$0x3FAE]  }
0x30: {  	s3 =	sld [smem:$0x3FB1]  }
0x31: {  	[smem:$0x3FBA] =	sst s10  }
0x32: {  	s10 =	sld [smem:$0x3FB8];
	_ =	sdelay $0x3  }
0x33: {  	p0 =	seq.s32 s10, $0x1;
	s10 =	sld [smem:$0x3FBA];
	_ =	sdelay $0x3  }
0x34: {  	[smem:$0x3FBA] =	sst s10  }
0x35: {  	s10 =	sld [smem:$0x3FB9];
	_ =	sdelay $0x3  }
0x36: {  	p1 =	seq.s32 s10, $0x1;
	s10 =	sld [smem:$0x3FBA];
	_ =	sdelay $0x3  }
0x37: {  	[smem:$0x3FBA] =	sst s10  }
0x38: {  	s10 =	sld [smem:$0x3FBB]  }
0x39: {  	_ = 	snop;
	(pc) =	sbr.ind lr, $3  }
0x3a: {  	_ = 	snop  }
0x3b: {  	_ = 	snop  }
0x3c: {  	p2 =	seq.s32 s10, $0x1;
	s10 =	sld [smem:$0x3FBA]  }
0x3d: {  	_ =	shalt  }
0x3e: {  	_ =	shalt  }
0x3f: {  	_ =	shalt  }
0x40: {  	_ =	shalt  }
0x41: {  	_ =	shalt  }
0x42: {  	_ =	shalt  }
0x43: {  	_ =	shalt  }
0x44: {  	_ =	shalt  }
0x45: {  	_ =	shalt  }
0x46: {  	_ =	shalt  }
0x47: {  	_ =	shalt  }
0x48: {  	_ =	shalt  }
0x49: {  	_ =	shalt  }
0x4a: {  	_ =	shalt  }
0x4b: {  	_ =	shalt  }
0x4c: {  	_ =	shalt  }
0x4d: {  	_ =	shalt  }
0x4e: {  	_ =	shalt  }
0x4f: {  	_ =	shalt  }
0x50: {  	_ =	shalt  }
0x51: {  	_ =	shalt  }
0x52: {  	_ =	shalt  }
0x53: {  	_ =	shalt  }
0x54: {  	_ =	shalt  }
0x55: {  	_ =	shalt  }
0x56: {  	_ =	shalt  }
0x57: {  	_ =	shalt  }
0x58: {  	_ =	shalt  }
0x59: {  	_ =	shalt  }
0x5a: {  	_ =	shalt  }
0x5b: {  	_ =	shalt  }
0x5c: {  	_ =	shalt  }
0x5d: {  	_ =	shalt  }
0x5e: {  	_ =	shalt  }
0x5f: {  	_ =	shalt  }
0x60: {  	_ =	shalt  }
0x61: {  	_ =	shalt  }
0x62: {  	_ =	shalt  }
0x63: {  	_ =	shalt  }
0x64: {  	_ =	shalt  }
0x65: {  	_ =	shalt  }
0x66: {  	_ =	shalt  }
0x67: {  	_ =	shalt  }
0x68: {  	_ =	shalt  }
0x69: {  	_ =	shalt  }
0x6a: {  	_ =	shalt  }
0x6b: {  	_ =	shalt  }
0x6c: {  	_ =	shalt  }
0x6d: {  	_ =	shalt  }
0x6e: {  	_ =	shalt  }
0x6f: {  	_ =	shalt  }
0x70: {  	_ =	shalt  }
0x71: {  	_ =	shalt  }
0x72: {  	_ =	shalt  }
0x73: {  	_ =	shalt  }
0x74: {  	_ =	shalt  }
0x75: {  	_ =	shalt  }
0x76: {  	_ =	shalt  }
0x77: {  	_ =	shalt  }
0x78: {  	_ =	shalt  }
0x79: {  	_ =	shalt  }
0x7a: {  	_ =	shalt  }
0x7b: {  	_ =	shalt  }
0x7c: {  	_ =	shalt  }
0x7d: {  	_ =	shalt  }
0x7e: {  	_ =	shalt  }
0x7f: {  	_ =	shalt  }
0x80: {  	_ =	shalt  }
0x81: {  	_ =	shalt  }
0x82: {  	_ =	shalt  }
0x83: {  	_ =	shalt  }
0x84: {  	_ =	shalt  }
0x85: {  	_ =	shalt  }
0x86: {  	_ =	shalt  }
0x87: {  	_ =	shalt  }
.Lfunc_end0:
.L_simem_size_0:
called_computation.1_lowered:
.L_overlay_start_0:
0x88: {  	s2 =	sld [smem:$0x3FD9]  }
0x89: {  	s3 =	sld [smem:$0x3FFE];
	_ =	sdelay $0x1  }
0x8a: {  	s1 =	srdreg.scid  }
0x8b: {  	s0 =	sand.u32 $0x1, s1  }
0x8c: {  	s17 =	sshll.u32 s0, $0xA;
	s2 =	sadd.s32 s3, s2  }
0x8d: {  	s2 =	sadd.s32 s2, s17  }
0x8e: {  	[smem:$0x3FC6] =	sst s2  }
0x8f: {  	_ = 	snop  }
0x90: {  	s2 =	sld [smem:$0x3FD0];
	(tm) =	ssettm $0x1  }
0x91: {  	s18 =	sld [smem:$0x3FFB];
	_ =	sdelay $0x3  }
0x92: {  	_ =	strace s18  }
0x93: {  	s3 =	sld [smem:$0x3FFC];
	_ =	sdelay $0x3  }
0x94: {  	_ =	strace s3  }
0x95: {  	s3 =	sld [smem:$0x3FFD];
	_ =	sdelay $0x3  }
0x96: {  	_ =	strace s3  }
0x97: {  	_ =	strace $0x8FFFFFFF  }
0x98: {  	s19 =	sld [smem:$0x3FDB];
	_ =	sdelay $0x1  }
0x99: {  	s4 =	simm.s32 $_scs_section_size  }
0x9a: {  	s5 =	simm.s32 $_size__tile_overlayer_lowered;
	s6 =	simm.s32 $_tile_overlayer_lowered  }
0x9b: {  	s22 =	simm.s32 $0x1BFF;
	s21 =	sshll.u32 s6, $0x1;
	s3 =	sadd.s32 s4, s19  }
0x9c: {  	s7 =	simm.s32 $0x0;
	s20 =	sshll.u32 s5, $0x1;
	s5 =	sadd.s32 s21, s3  }
0x9d: {  	[timem:s7], [sflag:s22] =	dma.local [hbm:s5], s20  }
0x9e: {  	_ =	swait.ge [sflag:s22], s20  }
0x9f: {  	s4 =	ssub.s32 $0x0, s20;
	[sflag:s22] =	ssyncset.done $0x0  }
0xa0: {  	[sflag:s22] =	ssyncadd.s32 s4;
	_ =	sdelay $0x1  }
0xa1: {  	s23 =	simm.s32 $0x1B8B  }
0xa2: {  	_ =	swait.ge [sflag:s23], $0x1  }
0xa3: {  	[sflag:s23] =	ssyncset.done $0x0  }
0xa4: {  	s25 =	simm.s32 $0x1B8E;
	s24 =	sld [smem:$0x3FFE];
	[sflag:s23] =	ssyncadd.s32 $0xFFFFFFFF  }
0xa5: {  	s26 =	simm.s32 $execute0_lowered;
	[smem:$0x3FD2] =	sst s25  }
0xa6: {  	s5 =	sshll.u32 s26, $0x1;
	_ =	strace $0x80000046;
	[dreg:$0x1] =	wrdreg $0xFFFFFFFF  }
0xa7: {  	s28 =	simm.s32 $_size_execute0_lowered;
	s3 =	sadd.s32 s3, s5;
	[dreg:$0x0] =	wrdreg $0x0  }
0xa8: {  	s5 =	sshll.u32 s28, $0x1;
	[dreg:$0x2] =	wrdreg s3  }
0xa9: {  	[dreg:$0x3] =	wrdreg s5  }
0xaa: {  	[dreg:$0x4] =	wrdreg $0xC0  }
0xab: {  	_ =	task [dreg:s7], $0x5FFFF  }
0xac: {  	[dreg:$0x1] =	wrdreg $0xFFFFFFFF  }
0xad: {  	[dreg:$0x0] =	wrdreg $0x60  }
0xae: {  	[dreg:$0x2] =	wrdreg s2  }
0xaf: {  	[dreg:$0x3] =	wrdreg s24  }
0xb0: {  	[dreg:$0x4] =	wrdreg $0x9  }
0xb1: {  	_ =	task.clear_ibuf [dreg:s7], $0x5FFFF;
	_ =	strace $0x90000046  }
0xb2: {  	s29 =	simm.s32 $0x9;
	_ =	strace $0x80000048  }
0xb3: {  	_ =	swait.ge [sflag:s29], $0x1  }
0xb4: {  	[sflag:s29] =	ssyncadd.s32 $0xFFFFFFFF  }
0xb5: {  	_ =	strace $0x90000048  }
0xb6: {  	_ =	sfence  }
0xb7: {  	s30 =	sld [smem:$0x0];
	_ =	sdelay $0x2  }
0xb8: {  	s31 =	sshll.u32 s1, $0xD;
	s1 =	sshrl.u32 s1, $0x2  }
0xb9: {  	s3 =	sand.u32 $0x4000, s31;
	s1 =	sadd.s32 s1, s30  }
0xba: {  	s0 =	sor.u32 s3, s0;
	s1 =	sshll.u32 s1, $0x11  }
0xbb: {  	s0 =	sor.u32 s1, s0  }
0xbc: {  	s0 =	sadd.s32 $0x8F2B, s0  }
0xbd: {  	[sflag:s0] =	ssyncadd.remote.s32 $0x1  }
0xbe: {  	_ =	sfence.sel $0xFFFF  }
0xbf: {  	[dreg:$0x0] =	wrdreg $0xFFFFFFFF;
	(pc) =	sbr.abs _section_cstart, $3  }
0xc0: {  	[dreg:$0x1] =	wrdreg $0xFFFFFFFF  }
0xc1: {  	_ =	task.clear_ibuf [dreg:s7], $0x2FFFF;
	_ =	strace $0x9FFFFFFF  }
0xc2: {  	(tm) =	ssettm $0x7FFFFFFF  }
0xc3: {  	_ =	shalt  }
tec
execute0_lowered:
.L_overlay_start_1:
0x0: {  	(tag) =	ssettag $0x1  }
0x1: {  	s2 =	rddreg [dreg:$0x0]  }
0x2: {  	s0 =	rddreg [dreg:$0x1];
	s1 =	srdreg.scid  }
0x3: {  	s4 =	stileid.u32;
	s3 =	simm.s32 $0x0;
	s11 =	simm.s32 $0x5  }
0x4: {  	s12 =	simm.s32 $0x80;
	s14 =	simm.s32 $0x48;
	s20 =	simm.s32 $0x190  }
0x5: {  	s21 =	simm.s32 $0xCB20;
	s22 =	simm.s32 $0x210;
	s23 =	simm.s32 $0x10B20  }
0x6: {  	s24 =	simm.s32 $0x258;
	s28 =	simm.s32 $0x16F20;
	s29 =	simm.s32 $0x1  }
0x7: {  	s30 =	simm.s32 $0x2;
	s31 =	simm.s32 $0x3;
	s1 =	sand.u32 $0x1, s1  }
0x8: {  	s4 =	sshll.u32 s4, $0x8;
	[smem:$0x7FF] =	sst s3;
	s6 =	sadd.s32 $0xA00, s0  }
0x9: {  	s5 =	sshll.u32 s1, $0x7;
	_ =	strace $0x80000047;
	s1 =	ssub.s32 $0x2, s1  }
0xa: {  	s4 =	sor.u32 s5, s4;
	s5 =	sadd.s32 $0xF42E00, s0;
	s25 =	sshrl.u32 s1, $0x1  }
0xb: {  	s7 =	smul.u32 $0x19, s4;
	s0 =	ssub.s32 s1, s25;
	s8 =	sor.u32 $0x4, s4  }
0xc: {  	s10 =	sor.u32 $0x2, s4;
	s25 =	simm.s32 $0x12F20;
	s0 =	smax.u32 s0, $0x1  }
0xd: {  	s1 =	simm.s32 $0x0;
	s26 =	sadd.s32 s2, s7;
	[dreg:$0x4] =	wrdreg s0  }
0xe: {  	s0 =	simm.s32 $0x4;
	[dreg:$0x3] =	wrdreg s26;
	s26 =	simm.s32 $0x2D8  }
.LBB2_1:
0xf: {  	s7 =	rddreg [dreg:$0x3]  }
0x10: {  	[tilespmem:s3], [sflag:$0x5] =	stream.linear.gather [hbm4b:s7+s3], $0x190, $0x38;
	[tilespmem:$0x19320] =	vst v63  }
0x11: {  	_ =	swait.ge [sflag:s11], $0x190  }
0x12: {  	[sflag:s11] =	ssyncset.done $0x0  }
0x13: {  	s15 =	simm.s32 $0x320;
	[sflag:s11] =	ssyncadd.s32 $0xFFFFFE70  }
0x14: {  	[tilespmem:s15], [sflag:$0x1] =	stream.indirect.gather [hbm4b:s5+s12], $0x80, s3, s12, $0xb8;
	[tilespmem:$0x19320] =	vst v63  }
0x15: {  	s16 =	simm.s32 $0x4320  }
0x16: {  	[tilespmem:s16], [sflag:$0x1] =	stream.indirect.gather [hbm4b:s5+s14], $0x80, s12, s14, $0xb8;
	[tilespmem:$0x19320] =	vst v63  }
0x17: {  	s17 =	simm.s32 $0xC8;
	s9 =	simm.s32 $0x6720  }
0x18: {  	[tilespmem:s9], [sflag:$0x1] =	stream.indirect.gather [hbm4b:s5+s12], $0x80, s17, s12, $0xb8;
	[tilespmem:$0x19320] =	vst v63  }
0x19: {  	s18 =	simm.s32 $0x148;
	s19 =	simm.s32 $0xA720;
	s13 =	simm.s32 $0x0  }
0x1a: {  	[tilespmem:s19], [sflag:$0x1] =	stream.indirect.gather [hbm4b:s5+s14], $0x80, s18, s14, $0xb8;
	[tilespmem:$0x19320] =	vst v63  }
.LBB2_2:
0x1b: {  	s16 =	sshll.u32 s13, $0x2  }
0x1c: {  	s15 =	sor.u32 s10, s16  }
0x1d: {  	s7 =	smul.u32 $0x19, s15;
	_ =	sdelay $0x1  }
0x1e: {  	s9 =	simm.s32 $0x0;
	s7 =	sadd.s32 s2, s7  }
0x1f: {  	[tilespmem:s20], [sflag:$0x5] =	stream.linear.gather [hbm4b:s7+s9], $0x190, $0x38;
	[tilespmem:$0x19320] =	vst v63  }
0x20: {  	_ =	swait.ge [sflag:s11], $0x190  }
0x21: {  	[sflag:s11] =	ssyncset.done $0x0  }
0x22: {  	[sflag:s11] =	ssyncadd.s32 $0xFFFFFE70  }
0x23: {  	[tilespmem:s21], [sflag:$0x2] =	stream.indirect.gather [hbm4b:s5+s12], $0x80, s20, s12, $0xb8;
	[tilespmem:$0x19320] =	vst v63  }
0x24: {  	_ = 	snop  }
0x25: {  	[tilespmem:s23], [sflag:$0x2] =	stream.indirect.gather [hbm4b:s5+s14], $0x80, s22, s14, $0xb8;
	[tilespmem:$0x19320] =	vst v63  }
0x26: {  	_ = 	snop  }
0x27: {  	[tilespmem:s25], [sflag:$0x2] =	stream.indirect.gather [hbm4b:s5+s12], $0x80, s24, s12, $0xb8;
	[tilespmem:$0x19320] =	vst v63  }
0x28: {  	_ = 	snop  }
0x29: {  	[tilespmem:s28], [sflag:$0x2] =	stream.indirect.gather [hbm4b:s5+s14], $0x80, s26, s14, $0xb8;
	[tilespmem:$0x19320] =	vst v63  }
0x2a: {  	_ =	swait.ge [sflag:s29], $0x4000  }
0x2b: {  	[sflag:s29] =	ssyncset.done $0x0  }
0x2c: {  	[sflag:s29] =	ssyncadd.s32 $0xFFFFC000  }
0x2d: {  	_ =	swait.ge [sflag:s29], $0x2400  }
0x2e: {  	[sflag:s29] =	ssyncset.done $0x0  }
0x2f: {  	[sflag:s29] =	ssyncadd.s32 $0xFFFFDC00  }
0x30: {  	_ =	swait.ge [sflag:s29], $0x4000  }
0x31: {  	s19 =	sadd.s32 s4, s16;
	[sflag:s29] =	ssyncset.done $0x0  }
0x32: {  	s7 =	smul.u32 $0xC80, s19;
	[sflag:s29] =	ssyncadd.s32 $0xFFFFC000  }
0x33: {  	s18 =	simm.s32 $0x320;
	_ =	swait.ge [sflag:s29], $0x2400  }
0x34: {  	s19 =	simm.s32 $0x10;
	s17 =	sadd.s32 s6, s7;
	[sflag:s29] =	ssyncset.done $0x0  }
0x35: {  	s7 =	simm.s32 $0x3A0;
	s9 =	sadd.s32 $0x0, s17;
	[sflag:s29] =	ssyncadd.s32 $0xFFFFDC00  }
.LBB2_3:
0x36: {  	[hbm4b:s9+s3] =	stream.linear.scatter [tilespmem:s18], [sflag:$0x3], $0x40, $0x38;
	[tilespmem:$0x19320] =	vst v63  }
0x37: {  	s9 =	smov.u32 s19;
	s18 =	smov.u32 s7;
	p0 =	sne.s32 s19, $0x18F0  }
.Ltmp0:
0x38: {  	s19 =	sadd.s32 $0x10, s19;
	(pc) =	sbr.rel @p0 .LBB2_3-.Ltmp0, $2  }
0x39: {  	_ =	sdelay $0x2  }
0x3a: {  	s7 =	sadd.s32 $0x80, s7;
	s9 =	sadd.s32 s9, s17  }
0x3b: {  	[hbm4b:s9+s3] =	stream.linear.scatter [tilespmem:s18], [sflag:$0x3], $0x40, $0x38;
	[tilespmem:$0x19320] =	vst v63  }
0x3c: {  	p0 =	seq.s32 s13, $0x1F  }
0x3d: {  	s7 =	simm.s32 @!p0 $0x3;
	s9 =	sadd.s32 @!p0 s16, s8  }
0x3e: {  	_ =	swait.ge @!p0 [sflag:s7], $0x6400;
	s9 =	smul.u32 @!p0 $0x19, s9  }
0x3f: {  	[sflag:s7] =	ssyncset.done @!p0 $0x0  }
0x40: {  	[sflag:s7] =	ssyncadd.s32 @!p0 $0xFFFF9C00;
	s7 =	sadd.s32 @!p0 s2, s9;
	s9 =	simm.s32 @!p0 $0x0  }
0x41: {  	[tilespmem:s9], [sflag:$0x5] =	stream.linear.gather @!p0 [hbm4b:s7+s9], $0x190, $0x38;
	[tilespmem:$0x19320] =	vst v63  }
0x42: {  	s7 =	simm.s32 @!p0 $0x5  }
0x43: {  	_ =	swait.ge @!p0 [sflag:s7], $0x190  }
0x44: {  	[sflag:s7] =	ssyncset.done @!p0 $0x0  }
0x45: {  	s16 =	simm.s32 @!p0 $0x320;
	[sflag:s7] =	ssyncadd.s32 @!p0 $0xFFFFFE70;
	s7 =	simm.s32 @!p0 $0x80  }
0x46: {  	[tilespmem:s16], [sflag:$0x1] =	stream.indirect.gather @!p0 [hbm4b:s5+s7], $0x80, s9, s7, $0xb8;
	[tilespmem:$0x19320] =	vst v63  }
0x47: {  	s9 =	simm.s32 @!p0 $0x48;
	s16 =	simm.s32 @!p0 $0x4320  }
0x48: {  	[tilespmem:s16], [sflag:$0x1] =	stream.indirect.gather @!p0 [hbm4b:s5+s9], $0x80, s7, s9, $0xb8;
	[tilespmem:$0x19320] =	vst v63  }
0x49: {  	s17 =	simm.s32 @!p0 $0x6720;
	s16 =	simm.s32 @!p0 $0xC8  }
0x4a: {  	[tilespmem:s17], [sflag:$0x1] =	stream.indirect.gather @!p0 [hbm4b:s5+s7], $0x80, s16, s7, $0xb8;
	[tilespmem:$0x19320] =	vst v63  }
0x4b: {  	s7 =	simm.s32 @!p0 $0x148;
	s16 =	simm.s32 @!p0 $0xA720  }
0x4c: {  	[tilespmem:s16], [sflag:$0x1] =	stream.indirect.gather @!p0 [hbm4b:s5+s9], $0x80, s7, s9, $0xb8;
	[tilespmem:$0x19320] =	vst v63  }
0x4d: {  	_ =	swait.ge [sflag:s30], $0x4000  }
0x4e: {  	[sflag:s30] =	ssyncset.done $0x0  }
0x4f: {  	[sflag:s30] =	ssyncadd.s32 $0xFFFFC000  }
0x50: {  	_ =	swait.ge [sflag:s30], $0x2400  }
0x51: {  	[sflag:s30] =	ssyncset.done $0x0  }
0x52: {  	[sflag:s30] =	ssyncadd.s32 $0xFFFFDC00  }
0x53: {  	_ =	swait.ge [sflag:s30], $0x4000  }
0x54: {  	s19 =	smul.u32 $0xC80, s15;
	[sflag:s30] =	ssyncset.done $0x0  }
0x55: {  	[sflag:s30] =	ssyncadd.s32 $0xFFFFC000  }
0x56: {  	s13 =	sadd.s32 $0x1, s13;
	s15 =	sadd.s32 s6, s19;
	_ =	swait.ge [sflag:s30], $0x2400  }
0x57: {  	s17 =	simm.s32 $0x10;
	s16 =	simm.s32 $0xCB20;
	[sflag:s30] =	ssyncset.done $0x0  }
0x58: {  	s9 =	sadd.s32 $0x0, s15;
	s7 =	simm.s32 $0xCBA0;
	[sflag:s30] =	ssyncadd.s32 $0xFFFFDC00  }
.LBB2_5:
0x59: {  	[hbm4b:s9+s3] =	stream.linear.scatter [tilespmem:s16], [sflag:$0x4], $0x40, $0x38;
	[tilespmem:$0x19320] =	vst v63  }
0x5a: {  	s9 =	smov.u32 s17;
	s16 =	smov.u32 s7;
	p1 =	sne.s32 s17, $0x18F0  }
.Ltmp1:
0x5b: {  	s17 =	sadd.s32 $0x10, s17;
	(pc) =	sbr.rel @p1 .LBB2_5-.Ltmp1, $2  }
0x5c: {  	_ =	sdelay $0x2  }
0x5d: {  	s7 =	sadd.s32 $0x80, s7;
	s9 =	sadd.s32 s9, s15  }
0x5e: {  	[hbm4b:s9+s3] =	stream.linear.scatter [tilespmem:s16], [sflag:$0x4], $0x40, $0x38;
	[tilespmem:$0x19320] =	vst v63  }
0x5f: {  	p1 =	sne.s32 @!p0 s13, $0x20  }
0x60: {  	p1 =	por p0, !p1  }
.Ltmp2:
0x61: {  	_ = 	snop;
	(pc) =	sbr.rel @!p1 .LBB2_2-.Ltmp2, $4  }
0x62: {  	s7 =	simm.s32 @!p0 $0x4  }
0x63: {  	_ =	swait.ge @!p0 [sflag:s7], $0x6400  }
0x64: {  	[sflag:s7] =	ssyncset.done @!p0 $0x0  }
0x65: {  	[sflag:s7] =	ssyncadd.s32 @!p0 $0xFFFF9C00  }
0x66: {  	_ =	swait.ge [sflag:s31], $0x6400  }
0x67: {  	[sflag:s31] =	ssyncset.done $0x0  }
0x68: {  	[sflag:s31] =	ssyncadd.s32 $0xFFFF9C00  }
0x69: {  	_ =	swait.ge [sflag:s0], $0x6400  }
0x6a: {  	s1 =	sadd.s32 $0x1, s1;
	s7 =	rddreg [dreg:$0x4]  }
0x6b: {  	p0 =	sne.s32 s1, s7  }
.Ltmp3:
0x6c: {  	_ = 	snop;
	(pc) =	sbr.rel @p0 .LBB2_1-.Ltmp3, $3  }
0x6d: {  	_ =	sdelay $0x1  }
0x6e: {  	[sflag:s0] =	ssyncset.done $0x0  }
0x6f: {  	[sflag:s0] =	ssyncadd.s32 $0xFFFF9C00  }
0x70: {  	_ =	sfence.sel $0x180000  }
0x71: {  	[bflag:$0x0] =	sbarrier.arrive $0xFFFF  }
0x72: {  	_ =	strace $0x90000047  }
0x73: {  	s0 =	stileid.u32;
	[bflag:$0x2] =	sbarrier.arrive $0xFFFF  }
0x74: {  	p0 =	sne.s32 s0, $0x0;
	s0 =	rddreg [dreg:$0x2]  }
0x75: {  	s0 =	sadd.s32 @!p0 $0x100000, s0  }
0x76: {  	[sflag:s0] =	ssyncadd.tile.s32 @!p0 $0x1;
	_ =	shalt  }
.Lfunc_end2:
_tile_overlayer_lowered:
.L_overlay_start_2:
0x77: {  	(tag) =	ssettag $0x2  }
0x78: {  	s0 =	rddreg [dreg:$0x0];
	s2 =	stileid.u32  }
0x79: {  	s1 =	rddreg [dreg:$0x1];
	p0 =	sne.s32 s2, $0x0  }
0x7a: {  	s3 =	rddreg [dreg:$0x2];
	[bflag:$0x3] =	sbarrier.arrive $0xFFFF;
	s2 =	simm.s32 @!p0 $0x1C05  }
0x7b: {  	[timem:s3], [sflag:s2] =	dma.local @!p0 [hbm:s0], s1  }
0x7c: {  	s0 =	simm.s32 @!p0 $0x5  }
0x7d: {  	_ =	swait.ge @!p0 [sflag:s0], s1  }
0x7e: {  	s1 =	ssub.s32 @!p0 $0x0, s1;
	[sflag:s0] =	ssyncset.done @!p0 $0x0  }
0x7f: {  	[sflag:s0] =	ssyncadd.s32 @!p0 s1  }
0x80: {  	[bflag:$0x3] =	sbarrier.arrive $0xFFFF  }
0x81: {  	_ =	shalt  }

// kernel: sparse-core-data-format-call.cloned.1.call-start
scs
called_computation_lowered:
.L_overlay_start_0:
0x0: {  	s2 =	sld [smem:$0x3FD9]  }
0x1: {  	s3 =	sld [smem:$0x3FFE];
	_ =	sdelay $0x1  }
0x2: {  	s1 =	srdreg.scid  }
0x3: {  	s0 =	sand.u32 $0x1, s1  }
0x4: {  	s18 =	sshll.u32 s0, $0xA;
	s2 =	sadd.s32 s3, s2  }
0x5: {  	s2 =	sadd.s32 s2, s18  }
0x6: {  	[smem:$0x3FC6] =	sst s2  }
0x7: {  	_ = 	snop  }
0x8: {  	s2 =	sld [smem:$0x3FD0];
	(tm) =	ssettm $0x1  }
0x9: {  	s19 =	sld [smem:$0x3FFB];
	_ =	sdelay $0x3  }
0xa: {  	_ =	strace s19  }
0xb: {  	s3 =	sld [smem:$0x3FFC];
	_ =	sdelay $0x3  }
0xc: {  	_ =	strace s3  }
0xd: {  	s3 =	sld [smem:$0x3FFD];
	_ =	sdelay $0x3  }
0xe: {  	_ =	strace s3  }
0xf: {  	_ =	strace $0x8FFFFFFF  }
0x10: {  	s20 =	sld [smem:$0x3FDB];
	_ =	sdelay $0x1  }
0x11: {  	s4 =	simm.s32 $_scs_section_size  }
0x12: {  	s5 =	simm.s32 $_size__tile_overlayer_lowered;
	s6 =	simm.s32 $_tile_overlayer_lowered  }
0x13: {  	s23 =	simm.s32 $0x1BFF;
	s22 =	sshll.u32 s6, $0x1;
	s3 =	sadd.s32 s4, s20  }
0x14: {  	s7 =	simm.s32 $0x0;
	s21 =	sshll.u32 s5, $0x1;
	s5 =	sadd.s32 s22, s3  }
0x15: {  	[timem:s7], [sflag:s23] =	dma.local [hbm:s5], s21  }
0x16: {  	_ =	swait.ge [sflag:s23], s21  }
0x17: {  	s4 =	ssub.s32 $0x0, s21;
	[sflag:s23] =	ssyncset.done $0x0  }
0x18: {  	[sflag:s23] =	ssyncadd.s32 s4;
	_ =	sdelay $0x1  }
0x19: {  	s24 =	simm.s32 $0x1B8B  }
0x1a: {  	_ =	swait.ge [sflag:s24], $0x1  }
0x1b: {  	[sflag:s24] =	ssyncset.done $0x0  }
0x1c: {  	s26 =	simm.s32 $0x1B8E;
	s25 =	sld [smem:$0x3FFE];
	[sflag:s24] =	ssyncadd.s32 $0xFFFFFFFF  }
0x1d: {  	s27 =	simm.s32 $execute0_lowered;
	[smem:$0x3FD2] =	sst s26  }
0x1e: {  	s5 =	sshll.u32 s27, $0x1;
	_ =	strace $0x80000049;
	[dreg:$0x1] =	wrdreg $0xFFFFFFFF  }
0x1f: {  	s28 =	simm.s32 $_size_execute0_lowered;
	s3 =	sadd.s32 s3, s5;
	[dreg:$0x0] =	wrdreg $0x0  }
0x20: {  	s5 =	sshll.u32 s28, $0x1;
	[dreg:$0x2] =	wrdreg s3  }
0x21: {  	[dreg:$0x3] =	wrdreg s5  }
0x22: {  	[dreg:$0x4] =	wrdreg $0xC0  }
0x23: {  	_ =	task [dreg:s7], $0x5FFFF  }
0x24: {  	[dreg:$0x1] =	wrdreg $0xFFFFFFFF  }
0x25: {  	[dreg:$0x0] =	wrdreg $0x60  }
0x26: {  	[dreg:$0x2] =	wrdreg s25  }
0x27: {  	[dreg:$0x3] =	wrdreg s2  }
0x28: {  	[dreg:$0x4] =	wrdreg $0x9  }
0x29: {  	_ =	task.clear_ibuf [dreg:s7], $0x5FFFF;
	_ =	strace $0x90000049  }
0x2a: {  	s29 =	simm.s32 $0x9;
	_ =	strace $0x8000004B  }
0x2b: {  	_ =	swait.ge [sflag:s29], $0x1  }
0x2c: {  	[sflag:s29] =	ssyncadd.s32 $0xFFFFFFFF  }
0x2d: {  	_ =	strace $0x9000004B  }
0x2e: {  	_ =	sfence  }
0x2f: {  	s30 =	sld [smem:$0x0];
	_ =	sdelay $0x2  }
0x30: {  	s31 =	sshll.u32 s1, $0xD;
	s1 =	sshrl.u32 s1, $0x2  }
0x31: {  	s3 =	sand.u32 $0x4000, s31;
	s1 =	sadd.s32 s1, s30  }
0x32: {  	s0 =	sor.u32 s3, s0;
	s1 =	sshll.u32 s1, $0x11  }
0x33: {  	s0 =	sor.u32 s1, s0  }
0x34: {  	s0 =	sadd.s32 $0x8F2B, s0  }
0x35: {  	[sflag:s0] =	ssyncadd.remote.s32 $0x1  }
0x36: {  	_ =	sfence.sel $0xFFFF  }
0x37: {  	[dreg:$0x0] =	wrdreg $0xFFFFFFFF;
	(pc) =	sbr.abs _section_cstart, $3  }
0x38: {  	[dreg:$0x1] =	wrdreg $0xFFFFFFFF  }
0x39: {  	_ =	task.clear_ibuf [dreg:s7], $0x2FFFF;
	_ =	strace $0x9FFFFFFF  }
0x3a: {  	(tm) =	ssettm $0x7FFFFFFF  }
0x3b: {  	_ =	shalt  }
tec
execute0_lowered:
.L_overlay_start_1:
0x0: {  	(tag) =	ssettag $0x1  }
0x1: {  	s0 =	srdreg.scid  }
0x2: {  	s1 =	sshll.u32 s0, $0x4  }
0x3: {  	s0 =	stileid.u32;
	s1 =	sand.u32 $0x10, s1  }
0x4: {  	s1 =	sor.u32 s0, s1  }
0x5: {  	s6 =	rddreg [dreg:$0x0];
	s4 =	simm.s32 $0x1;
	s2 =	sshll.u32 s1, $0x7  }
0x6: {  	s7 =	simm.s32 $0x2;
	s12 =	simm.s32 $0x0;
	s1 =	ssub.s32 $0x1000, s2  }
0x7: {  	s8 =	simm.s32 $0x8000;
	s13 =	simm.s32 $0x0;
	s3 =	sand.u32 $0xF80, s1  }
0x8: {  	s9 =	simm.s32 $0x0;
	s5 =	sshrl.u32 s1, $0xC;
	p0 =	sne.s32 s3, $0x0  }
.Ltmp0:
0x9: {  	s1 =	rddreg [dreg:$0x2];
	s4 =	simm.s32 @!p0 $0x0;
	(pc) =	sbr.rel .LBB1_1-.Ltmp0, $4  }
0xa: {  	s11 =	simm.s32 $0x0;
	s3 =	rddreg [dreg:$0x1];
	s5 =	sadd.s32 s4, s5  }
0xb: {  	_ =	strace $0x8000004A;
	s4 =	simm.s32 $0x1;
	s5 =	smul.u32 $0xC8, s5  }
0xc: {  	s6 =	sadd.s32 $0xA00, s6;
	s10 =	smov.u32 s2;
	[sflag:s4] =	ssyncpa.u1 $0x0  }
0xd: {  	p0 =	por $0x0, $0x0;
	[sflag:s7] =	ssyncpa.u1 $0x0;
	s7 =	sor.u32 $0x1, s5  }
.LBB1_4:
0xe: {  	s16 =	sshll.u32 s13, $0x3;
	s17 =	sand.u32 $0x78, s13  }
0xf: {  	s30 =	sand.u32 $0x7E00, s13;
	s12 =	sshll.u32 s12, $0xF;
	s16 =	sand.u32 $0xC00, s16  }
0x10: {  	[tilespmem:s15+$0x810 ss:$0x81] =	vst.msk $0xffff, v2;
	s31 =	sand.u32 $0x7, s13;
	s16 =	sor.u32 s17, s16;
	s17 =	sadd.s32 s3, s30  }
0x11: {  	[tilespmem:s15+$0x1020 ss:$0x81] =	vst.msk $0xffff, v0;
	s13 =	sshll.u32 s31, $0x12;
	s12 =	sadd.s32 s12, s17;
	s16 =	sshrl.u32 s16, $0x3  }
0x12: {  	[tilespmem:s15+$0x0 ss:$0x81] =	vst.msk $0xffff, v1;
	s13 =	sor.u32 $0x400, s13;
	s12 =	sadd.s32 s16, s12  }
0x13: {  	[hbm4b:s12+s13] =	stream.strided.scatter [tilespmem:s14], [sflag:$0x2], $0x2000, s8, s13, $0x20;
	[tilespmem:$0x8080] =	vst v63  }
.LBB1_5:
0x14: {  	s14 =	sadd.s32 $0x1, s9  }
0x15: {  	s12 =	sadd.s32 $0x1000, s10;
	s16 =	smov.u32 s10;
	p2 =	sgt.s32 s14, $0xC7  }
0x16: {  	s16 =	smov.u32 @p2 s12  }
0x17: {  	s14 =	simm.s32 @p2 $0x0;
	p2 =	sgt.s32 s16, $0xFFF  }
0x18: {  	s16 =	smov.u32 @p2 s2;
	p2 =	sne.s32 s11, s7  }
.Ltmp1:
0x19: {  	p1 =	slt.u32 s11, $0x2;
	(pc) =	sbr.rel @!p2 .LBB1_6-.Ltmp1, $4  }
0x1a: {  	s15 =	simm.s32 @!p1 $0x2  }
0x1b: {  	s13 =	smov.u32 s10;
	p0 =	por !p0, !p0;
	_ =	swait.ge @!p1 [sflag:s15], $0x2000  }
0x1c: {  	s12 =	smov.u32 s9;
	[sflag:s15] =	ssyncset.done @!p1 $0x0;
	s9 =	smov.u32 s14  }
0x1d: {  	s11 =	sadd.s32 $0x1, s11;
	[sflag:s15] =	ssyncadd.s32 @!p1 $0xFFFFE000;
	s10 =	smov.u32 s16  }
.LBB1_1:
0x1e: {  	p1 =	sge.u32 s11, s5  }
0x1f: {  	s14 =	sand.u32 @!p1 $0x1FFFFFF, s9  }
0x20: {  	s15 =	smulhi.u32 @!p1 $0x147AE15, s14;
	_ =	sdelay $0x1  }
0x21: {  	s15 =	smul.u32 @!p1 $0xC8, s15  }
0x22: {  	s16 =	sxor.u32 @!p1 $0xFFFFFFFF, s11;
	s17 =	smul.u32 @!p1 $0xC80, s10  }
0x23: {  	s31 =	sadd.s32 $0xFFFFFFFF, s11;
	s16 =	sshll.u32 @!p1 s16, $0xD;
	s14 =	ssub.s32 @!p1 s14, s15  }
0x24: {  	s15 =	sand.u32 @!p1 $0x2000, s16;
	s16 =	sadd.s32 @!p1 s6, s17;
	s14 =	sshll.u32 @!p1 s14, $0x4  }
0x25: {  	s17 =	simm.s32 @!p1 $0x6400;
	s14 =	sadd.s32 @!p1 s14, s16;
	s16 =	simm.s32 @!p1 $0x40  }
0x26: {  	[tilespmem:s15], [sflag:$0x1] =	stream.strided.gather @!p1 [hbm4b:s14+s16], $0x2000, s17, s16, $0x38;
	[tilespmem:$0x8080] =	vst v63  }
0x27: {  	p1 =	sge.u32 s31, s5  }
.Ltmp2:
0x28: {  	_ = 	snop;
	(pc) =	sbr.rel @p1 .LBB1_5-.Ltmp2, $1  }
0x29: {  	_ =	sdelay $0x3  }
0x2a: {  	s14 =	simm.s32 $0x1  }
0x2b: {  	_ =	swait.ge [sflag:s4], $0x2000;
	s14 =	simm.s32 @!p0 $0x0  }
0x2c: {  	[sflag:s4] =	ssyncset.done $0x0;
	s15 =	sshll.u32 s14, $0xD  }
0x2d: {  	[sflag:s4] =	ssyncadd.s32 $0xFFFFE000;
	s18 =	sor.u32 $0x20, s15  }
0x2e: {  	s14 =	smul.u32 $0x8100, s14;
	v3 =	vld [tilespmem:s18+$0x10]  }
0x2f: {  	s30 =	sand.u32 $0x1, s11;
	v2 =	vld [tilespmem:s18+$0xFFFFFFF0]  }
0x30: {  	s15 =	smul.u32 $0x8100, s30;
	s14 =	sshrl.u32 s14, $0x2;
	v0 =	vld [tilespmem:s18+$0x0]  }
0x31: {  	v1 =	vld [tilespmem:s18+$0xFFFFFFE0];
	s16 =	sor.u32 $0x4000, s14  }
0x32: {  	s31 =	sshrl.u32 s15, $0x2;
	s15 =	sadd.s32 $0x0, s16  }
0x33: {  	s17 =	simm.s32 $0x4;
	s18 =	sadd.s32 $0x40, s18;
	s14 =	sor.u32 $0x4000, s31;
	[tilespmem:s15+$0x1830 ss:$0x81] =	vst.msk $0xffff, v3  }
.LBB1_3:
0x34: {  	v3 =	vld [tilespmem:s18+$0x10];
	p1 =	sne.s32 s17, $0x1FC;
	[tilespmem:s15+$0x810 ss:$0x81] =	vst.msk $0xffff, v2;
	s19 =	smov.u32 s17;
	s17 =	sadd.s32 $0x4, s17  }
.Ltmp3:
0x35: {  	v2 =	vld [tilespmem:s18+$0xFFFFFFF0];
	[tilespmem:s15+$0x1020 ss:$0x81] =	vst.msk $0xffff, v0;
	(pc) =	sbr.rel @p1 .LBB1_3-.Ltmp3, $4  }
0x36: {  	v0 =	vld [tilespmem:s18+$0x0];
	[tilespmem:s15+$0x0 ss:$0x81] =	vst.msk $0xffff, v1  }
0x37: {  	s15 =	sshra.s32 s19, $0x2;
	v1 =	vld [tilespmem:s18+$0xFFFFFFE0]  }
0x38: {  	s15 =	sadd.s32 s15, s16  }
0x39: {  	s18 =	sadd.s32 $0x40, s18;
	[tilespmem:s15+$0x1830 ss:$0x81] =	vst.msk $0xffff, v3  }
.Ltmp4:
0x3a: {  	_ = 	snop;
	(pc) =	sbr.rel .LBB1_4-.Ltmp4, $1  }
0x3b: {  	_ =	sdelay $0x3  }
.LBB1_6:
0x3c: {  	_ =	sfence.sel $0x180000  }
0x3d: {  	s2 =	simm.s32 $0x1;
	[bflag:$0x0] =	sbarrier.arrive $0xFFFF  }
0x3e: {  	s31 =	simm.s32 $0x2;
	[sflag:s2] =	ssyncpa.u1 $0x1  }
0x3f: {  	[sflag:s31] =	ssyncpa.u1 $0x1  }
0x40: {  	p0 =	sne.s32 s0, $0x0;
	_ =	strace $0x9000004A  }
0x41: {  	s0 =	sadd.s32 @!p0 $0x100000, s1;
	[bflag:$0x2] =	sbarrier.arrive $0xFFFF  }
0x42: {  	[sflag:s0] =	ssyncadd.tile.s32 @!p0 $0x1;
	_ =	shalt  }
.Lfunc_end1:
_tile_overlayer_lowered:
.L_overlay_start_2:
0x43: {  	(tag) =	ssettag $0x2  }
0x44: {  	s0 =	rddreg [dreg:$0x0];
	s2 =	stileid.u32  }
0x45: {  	s1 =	rddreg [dreg:$0x1];
	p0 =	sne.s32 s2, $0x0  }
0x46: {  	s3 =	rddreg [dreg:$0x2];
	[bflag:$0x3] =	sbarrier.arrive $0xFFFF;
	s2 =	simm.s32 @!p0 $0x1C01  }
0x47: {  	[timem:s3], [sflag:s2] =	dma.local @!p0 [hbm:s0], s1  }
0x48: {  	s0 =	simm.s32 @!p0 $0x1  }
0x49: {  	_ =	swait.ge @!p0 [sflag:s0], s1  }
0x4a: {  	s1 =	ssub.s32 @!p0 $0x0, s1;
	[sflag:s0] =	ssyncset.done @!p0 $0x0  }
0x4b: {  	[sflag:s0] =	ssyncadd.s32 @!p0 s1  }
0x4c: {  	[bflag:$0x3] =	sbarrier.arrive $0xFFFF  }
0x4d: {  	_ =	shalt  }

</sc_bundles>
